<compile_context>
chip_gen: v7x
topology: tpu7x:2x2x1
jax: 0.10.2.dev20260603
libtpu: 0.0.44.dev20260713+nightly
codegen_flags: <defaults>
</compile_context>

<pallas_src>
import functools

import jax
import jax.numpy as jnp
from jax import lax
from jax.experimental import pallas as pl
from jax.experimental.pallas import tpu as pltpu
from jax.experimental.pallas import tpu_sc as plsc

N_NODES = 10000
HIDDEN = 128
N_EDGES = 320000
DROPOUT_RATE = 0.25

NC = 2
NS = 16
NW = NC * NS
CHUNK = 128
KB = 16
CPW = 80
NBODY = CPW // KB
TOT_CHUNKS = NW * CPW
E_PAD = TOT_CHUNKS * CHUNK
ACC_ROWS = 10112
ROWS_PER_SUB = ACC_ROWS // NS


def _sc_scatter(x, src, dst, zeros_rows):
    mesh = plsc.VectorSubcoreMesh(core_axis_name="c", subcore_axis_name="s")

    @functools.partial(
        pl.kernel,
        mesh=mesh,
        out_type=jax.ShapeDtypeStruct((NC, ACC_ROWS, HIDDEN), jnp.float32),
        scratch_types=[
            pltpu.VMEM((KB, CHUNK), jnp.int32),
            pltpu.VMEM((CHUNK,), jnp.int32),
            pltpu.VMEM((CHUNK,), jnp.int32),
            pltpu.VMEM((CHUNK, HIDDEN), jnp.float32),
            pltpu.VMEM((CHUNK, HIDDEN), jnp.float32),
            pltpu.VMEM_SHARED((ACC_ROWS, HIDDEN), jnp.float32),
            pltpu.SemaphoreType.DMA,
            pltpu.SemaphoreType.DMA,
            pltpu.SemaphoreType.DMA,
            pltpu.SemaphoreType.DMA,
            pltpu.SemaphoreType.DMA,
            pltpu.SemaphoreType.DMA,
        ],
    )
    def k(x_hbm, src_hbm, dst_hbm, zero_hbm, out_hbm, src_i, dba, dbb,
          rows_a, rows_b, acc_sh, gs_a, gs_b, ss_a, ss_b, ds_a, ds_b):
        c = lax.axis_index("c")
        s = lax.axis_index("s")
        wid = c * NS + s
        stripe = pl.ds(s * ROWS_PER_SUB, ROWS_PER_SUB)

        pltpu.sync_copy(zero_hbm, acc_sh.at[stripe])
        plsc.subcore_barrier()

        rows = (rows_a, rows_b)
        dbuf = (dba, dbb)
        gsem = (gs_a, gs_b)
        ssem = (ss_a, ss_b)
        dsem = (ds_a, ds_b)

        def body(p, carry):
            off = pl.multiple_of(wid * CPW + p * KB, 8)
            pltpu.sync_copy(src_hbm.at[pl.ds(off, KB)], src_i)
            for t in range(KB):
                b = t % 2
                dcp = pltpu.async_copy(dst_hbm.at[off + t], dbuf[b], dsem[b])
                gcp = pltpu.async_copy(x_hbm.at[src_i.at[t]], rows[b], gsem[b])
                gcp.wait()
                dcp.wait()
            return carry

        lax.fori_loop(0, NBODY, body, 0)
        plsc.subcore_barrier()

        pltpu.sync_copy(acc_sh.at[stripe], out_hbm.at[c, stripe])

    return k(x, src, dst, zeros_rows)


def _tc_mlp(x, p0, p1, mask, W1, b1, W2, b2):
    BLK = 1000

    def body(x_ref, p0_ref, p1_ref, m_ref, w1_ref, b1_ref, w2_ref, b2_ref, o_ref):
        h = (x_ref[...] + p0_ref[...] + p1_ref[...]) * m_ref[...]
        h = jnp.dot(h, w1_ref[...], preferred_element_type=jnp.float32) + b1_ref[...]
        h = jnp.maximum(h, 0.0)
        o_ref[...] = jnp.dot(h, w2_ref[...], preferred_element_type=jnp.float32) + b2_ref[...]

    row_spec = pl.BlockSpec((BLK, HIDDEN), lambda i: (i, 0))
    full_spec = pl.BlockSpec((HIDDEN, HIDDEN), lambda i: (0, 0))
    vec_spec = pl.BlockSpec((1, HIDDEN), lambda i: (0, 0))
    return pl.pallas_call(
        body,
        grid=(N_NODES // BLK,),
        in_specs=[row_spec, row_spec, row_spec, vec_spec, full_spec, vec_spec,
                  full_spec, vec_spec],
        out_specs=row_spec,
        out_shape=jax.ShapeDtypeStruct((N_NODES, HIDDEN), jnp.float32),
    )(x, p0, p1, mask, W1, b1, W2, b2)


def kernel(x, edge_index, W1, b1, W2, b2):
    mask = jax.random.bernoulli(
        jax.random.key(42), p=1.0 - DROPOUT_RATE, shape=(HIDDEN,)
    ).astype(x.dtype)
    src = edge_index[0].astype(jnp.int32)
    dst = edge_index[1].astype(jnp.int32)
    pad = E_PAD - N_EDGES
    src = jnp.concatenate([src, jnp.zeros((pad,), jnp.int32)])
    src = jnp.arange(E_PAD, dtype=jnp.int32) % 9984
    dst = jnp.concatenate([dst, jnp.full((pad,), N_NODES, jnp.int32)])
    src = src.reshape(TOT_CHUNKS, CHUNK)
    dst = dst.reshape(TOT_CHUNKS, CHUNK)
    zeros_rows = jnp.zeros((ROWS_PER_SUB, HIDDEN), jnp.float32)
    partials = _sc_scatter(x, src, dst, zeros_rows)
    return _tc_mlp(
        x, partials[0, :N_NODES], partials[1, :N_NODES], mask.reshape(1, HIDDEN),
        W1, b1.reshape(1, HIDDEN), W2, b2.reshape(1, HIDDEN),
    )

# --- scband reference (transcript-rebuilt; emitter-appended) ---
"""Pipeline reference for scband-deep-graph-conv-surv-module-68642167325075 (READ-ONLY COPY).

The authoritative reference and input builder live on the scoring server;
editing this copy changes nothing except your own understanding.
"""

import jax, jax.numpy as jnp
import numpy as np

N_NODES = 10000
N_EDGES = 320000
HIDDEN = 128
DROPOUT_RATE = 0.25


def setup_inputs(seed: int = 0) -> dict:
    key = jax.random.key(seed)
    k_x, k_e, k_w1, k_b1, k_w2, k_b2 = jax.random.split(key, 6)
    x = jax.random.normal(k_x, (N_NODES, HIDDEN), dtype=jnp.float32)
    edge_index = jax.random.randint(k_e, (2, N_EDGES), 0, N_NODES, dtype=jnp.int64)
    # GIN MLP params: Linear(hidden, hidden) -> ReLU -> Linear(hidden, hidden)
    lim = 1.0 / np.sqrt(HIDDEN)
    W1 = jax.random.uniform(k_w1, (HIDDEN, HIDDEN), dtype=jnp.float32, minval=-lim, maxval=lim)
    b1 = jax.random.uniform(k_b1, (HIDDEN,), dtype=jnp.float32, minval=-lim, maxval=lim)
    W2 = jax.random.uniform(k_w2, (HIDDEN, HIDDEN), dtype=jnp.float32, minval=-lim, maxval=lim)
    b2 = jax.random.uniform(k_b2, (HIDDEN,), dtype=jnp.float32, minval=-lim, maxval=lim)
    return {"x": x, "edge_index": edge_index, "W1": W1, "b1": b1, "W2": W2, "b2": b2}


def reference(x, edge_index, W1, b1, W2, b2):
    # Feature-channel dropout mask (torch.bernoulli on a [d_feat] tensor),
    # drawn once with a fixed key for determinism.
    mask = jax.random.bernoulli(jax.random.key(42), p=1.0 - DROPOUT_RATE, shape=(x.shape[1],)).astype(x.dtype)
    drop_node_feature = x * mask[None, :]
    # GINConv with eps=0 (PyG default): out = MLP((1+eps)*x + sum_{j in N(i)} x_j)
    src = edge_index[0]
    dst = edge_index[1]
    messages = jnp.take(drop_node_feature, src, axis=0)
    agg = jnp.zeros_like(drop_node_feature).at[dst].add(messages)
    h = drop_node_feature + agg
    h = jnp.dot(h, W1) + b1
    h = jax.nn.relu(h)
    out = jnp.dot(h, W2) + b2
    return out

if __name__ == "__main__":
    import jax
    _d = setup_inputs()
    print(jax.jit(kernel)(*tuple(_d.values())))

</pallas_src>

<mosaic_0001>
#map = affine_map<(d0, d1) -> (0, 0)>
#map1 = affine_map<(d0, d1) -> (0, 0, 0)>
module attributes {stable_mosaic.version = 14 : i64} {
  func.func @k(%arg0: i32, %arg1: i32, %arg2: memref<10000x128xf32, #tpu.memory_space<hbm>>, %arg3: memref<2560x128xi32, #tpu.memory_space<hbm>>, %arg4: memref<2560x128xi32, #tpu.memory_space<hbm>>, %arg5: memref<632x128xf32, #tpu.memory_space<hbm>>, %arg6: memref<2x10112x128xf32, #tpu.memory_space<hbm>>, %arg7: memref<16x128xi32, #tpu.memory_space<vmem>>, %arg8: memref<128xi32, #tpu.memory_space<vmem>>, %arg9: memref<128xi32, #tpu.memory_space<vmem>>, %arg10: memref<128x128xf32, #tpu.memory_space<vmem>>, %arg11: memref<128x128xf32, #tpu.memory_space<vmem>>, %arg12: memref<10112x128xf32, #tpu.memory_space<vmem_shared>>, %arg13: memref<!tpu.dma_semaphore, #tpu.memory_space<semaphore_mem>>, %arg14: memref<!tpu.dma_semaphore, #tpu.memory_space<semaphore_mem>>, %arg15: memref<!tpu.dma_semaphore, #tpu.memory_space<semaphore_mem>>, %arg16: memref<!tpu.dma_semaphore, #tpu.memory_space<semaphore_mem>>, %arg17: memref<!tpu.dma_semaphore, #tpu.memory_space<semaphore_mem>>, %arg18: memref<!tpu.dma_semaphore, #tpu.memory_space<semaphore_mem>>) attributes {dimension_semantics = [#tpu.dimension_semantics<core_parallel>, #tpu.dimension_semantics<subcore_parallel>], iteration_bounds = array<i64: 2, 16>, scalar_prefetch = 0 : i64, scratch_operands = 12 : i64, tpu.core_type = #tpu.core_type<sc_vector_subcore>, window_params = [{transform_indices = #map}, {transform_indices = #map}, {transform_indices = #map}, {transform_indices = #map}, {transform_indices = #map1}]} {
    %mul3A = arith.constant 16 : i32
    %mul3A_0 = arith.muli %arg0, %mul3A : i32
    %add3A = arith.addi %mul3A_0, %arg1 : i32
    %mul3A_1 = arith.constant 632 : i32
    %mul3A_2 = arith.muli %arg1, %mul3A_1 : i32
    "tpu.region"() ({
      %run_scoped3A = tpu.sem_alloc : memref<!tpu.dma_semaphore, #tpu.memory_space<semaphore_mem>>
      %dma_start3A = arith.constant 0 : i32
      %dma_start3A_9 = tpu.memref_slice %arg12[%mul3A_2, %dma_start3A] : memref<10112x128xf32, #tpu.memory_space<vmem_shared>> -> memref<632x128xf32, #tpu.memory_space<vmem_shared>>
      tpu.enqueue_dma source(%arg5 : memref<632x128xf32, #tpu.memory_space<hbm>>) target(%dma_start3A_9 : memref<632x128xf32, #tpu.memory_space<vmem_shared>>) target_semaphore(%run_scoped3A : memref<!tpu.dma_semaphore, #tpu.memory_space<semaphore_mem>>)
      %dma_wait3A = arith.constant 0 : i32
      %dma_wait3A_10 = tpu.memref_slice %arg12[%mul3A_2, %dma_wait3A] : memref<10112x128xf32, #tpu.memory_space<vmem_shared>> -> memref<632x128xf32, #tpu.memory_space<vmem_shared>>
      tpu.wait_dma2 semaphore(%run_scoped3A : memref<!tpu.dma_semaphore, #tpu.memory_space<semaphore_mem>>) src(%arg5 : memref<632x128xf32, #tpu.memory_space<hbm>>) dst(%dma_wait3A_10 : memref<632x128xf32, #tpu.memory_space<vmem_shared>>)
      tpu.yield
    }) : () -> ()
    %barrier3A = arith.constant 0 : index
    tpu.barrier barrier_id(%barrier3A)
    %scan3A = arith.constant 0 : i32
    %scan3A_3 = arith.constant 0 : i32
    %scan3A_4 = arith.constant 5 : i32
    %scan3A_5 = arith.addi %scan3A_3, %scan3A_4 : i32
    %scan3A_6 = arith.constant 1 : i32
    scf.for %scan3A_9 = %scan3A_3 to %scan3A_5 step %scan3A_6  : i32 {
      %mul3A_10 = arith.constant 80 : i32
      %mul3A_11 = arith.muli %add3A, %mul3A_10 : i32
      %mul3A_12 = arith.constant 16 : i32
      %mul3A_13 = arith.muli %scan3A_9, %mul3A_12 : i32
      %add3A_14 = arith.addi %mul3A_11, %mul3A_13 : i32
      %multiple_of3A = tpu.assume_multiple %add3A_14, 8 : i32
      "tpu.region"() ({
        %run_scoped3A = tpu.sem_alloc : memref<!tpu.dma_semaphore, #tpu.memory_space<semaphore_mem>>
        %dma_start3A_461 = arith.constant 0 : i32
        %dma_start3A_462 = tpu.memref_slice %arg3[%multiple_of3A, %dma_start3A_461] : memref<2560x128xi32, #tpu.memory_space<hbm>> -> memref<16x128xi32, #tpu.memory_space<hbm>>
        %dma_start3A_463 = arith.constant 0 : i32
        %dma_start3A_464 = tpu.memref_slice %arg3[%multiple_of3A, %dma_start3A_463] : memref<2560x128xi32, #tpu.memory_space<hbm>> -> memref<16x128xi32, #tpu.memory_space<hbm>>
        tpu.enqueue_dma source(%dma_start3A_464 : memref<16x128xi32, #tpu.memory_space<hbm>>) target(%arg7 : memref<16x128xi32, #tpu.memory_space<vmem>>) target_semaphore(%run_scoped3A : memref<!tpu.dma_semaphore, #tpu.memory_space<semaphore_mem>>)
        %dma_wait3A_465 = arith.constant 0 : i32
        %dma_wait3A_466 = tpu.memref_slice %arg3[%multiple_of3A, %dma_wait3A_465] : memref<2560x128xi32, #tpu.memory_space<hbm>> -> memref<16x128xi32, #tpu.memory_space<hbm>>
        %dma_wait3A_467 = arith.constant 0 : i32
        %dma_wait3A_468 = tpu.memref_slice %arg3[%multiple_of3A, %dma_wait3A_467] : memref<2560x128xi32, #tpu.memory_space<hbm>> -> memref<16x128xi32, #tpu.memory_space<hbm>>
        tpu.wait_dma2 semaphore(%run_scoped3A : memref<!tpu.dma_semaphore, #tpu.memory_space<semaphore_mem>>) src(%dma_wait3A_468 : memref<16x128xi32, #tpu.memory_space<hbm>>) dst(%arg7 : memref<16x128xi32, #tpu.memory_space<vmem>>)
        tpu.yield
      }) : () -> ()
      %add3A_15 = arith.constant 0 : i32
      %add3A_16 = arith.addi %multiple_of3A, %add3A_15 : i32
      %dma_start3A = arith.constant 0 : i32
      %dma_start3A_17 = tpu.memref_slice %arg4[%add3A_16, %dma_start3A] : memref<2560x128xi32, #tpu.memory_space<hbm>> -> memref<1x128xi32, #tpu.memory_space<hbm>>
      %dma_start3A_18 = tpu.memref_squeeze %dma_start3A_17 : memref<1x128xi32, #tpu.memory_space<hbm>> -> memref<128xi32, #tpu.memory_space<hbm>>
      %dma_start3A_19 = arith.constant 0 : i32
      %dma_start3A_20 = tpu.memref_slice %arg4[%add3A_16, %dma_start3A_19] : memref<2560x128xi32, #tpu.memory_space<hbm>> -> memref<1x128xi32, #tpu.memory_space<hbm>>
      %dma_start3A_21 = tpu.memref_squeeze %dma_start3A_20 : memref<1x128xi32, #tpu.memory_space<hbm>> -> memref<128xi32, #tpu.memory_space<hbm>>
      tpu.enqueue_dma source(%dma_start3A_21 : memref<128xi32, #tpu.memory_space<hbm>>) target(%arg8 : memref<128xi32, #tpu.memory_space<vmem>>) target_semaphore(%arg17 : memref<!tpu.dma_semaphore, #tpu.memory_space<semaphore_mem>>)
      %dma_start3A_22 = arith.constant 0 : i32
      %dma_start3A_23 = arith.constant 0 : i32
      %dma_start3A_24 = tpu.memref_slice %arg7[%dma_start3A_22, %dma_start3A_23] : memref<16x128xi32, #tpu.memory_space<vmem>> -> memref<1x128xi32, #tpu.memory_space<vmem>>
      %dma_start3A_25 = tpu.memref_squeeze %dma_start3A_24 : memref<1x128xi32, #tpu.memory_space<vmem>> -> memref<128xi32, #tpu.memory_space<vmem>>
      %dma_start3A_26 = arith.constant 0 : i32
      %dma_start3A_27 = arith.constant 0 : i32
      %dma_start3A_28 = tpu.memref_slice %arg2[%dma_start3A_26, %dma_start3A_27] : memref<10000x128xf32, #tpu.memory_space<hbm>> -> memref<10000x128xf32, #tpu.memory_space<hbm>>
      tpu.enqueue_indirect_dma source(%dma_start3A_28 : memref<10000x128xf32, #tpu.memory_space<hbm>>) target(%arg10 : memref<128x128xf32, #tpu.memory_space<vmem>>) offsets(%dma_start3A_25 : memref<128xi32, #tpu.memory_space<vmem>>) semaphore(%arg13 : memref<!tpu.dma_semaphore, #tpu.memory_space<semaphore_mem>>)
      %dma_wait3A = arith.constant 0 : i32
      %dma_wait3A_29 = arith.constant 0 : i32
      %dma_wait3A_30 = tpu.memref_slice %arg7[%dma_wait3A, %dma_wait3A_29] : memref<16x128xi32, #tpu.memory_space<vmem>> -> memref<1x128xi32, #tpu.memory_space<vmem>>
      %dma_wait3A_31 = tpu.memref_squeeze %dma_wait3A_30 : memref<1x128xi32, #tpu.memory_space<vmem>> -> memref<128xi32, #tpu.memory_space<vmem>>
      %dma_wait3A_32 = arith.constant 0 : i32
      %dma_wait3A_33 = arith.constant 0 : i32
      %dma_wait3A_34 = tpu.memref_slice %arg2[%dma_wait3A_32, %dma_wait3A_33] : memref<10000x128xf32, #tpu.memory_space<hbm>> -> memref<10000x128xf32, #tpu.memory_space<hbm>>
      tpu.wait_indirect_dma semaphore(%arg13 : memref<!tpu.dma_semaphore, #tpu.memory_space<semaphore_mem>>) src(%dma_wait3A_34 : memref<10000x128xf32, #tpu.memory_space<hbm>>) dst(%arg10 : memref<128x128xf32, #tpu.memory_space<vmem>>)
      %dma_wait3A_35 = arith.constant 0 : i32
      %dma_wait3A_36 = tpu.memref_slice %arg4[%add3A_16, %dma_wait3A_35] : memref<2560x128xi32, #tpu.memory_space<hbm>> -> memref<1x128xi32, #tpu.memory_space<hbm>>
      %dma_wait3A_37 = tpu.memref_squeeze %dma_wait3A_36 : memref<1x128xi32, #tpu.memory_space<hbm>> -> memref<128xi32, #tpu.memory_space<hbm>>
      %dma_wait3A_38 = arith.constant 0 : i32
      %dma_wait3A_39 = tpu.memref_slice %arg4[%add3A_16, %dma_wait3A_38] : memref<2560x128xi32, #tpu.memory_space<hbm>> -> memref<1x128xi32, #tpu.memory_space<hbm>>
      %dma_wait3A_40 = tpu.memref_squeeze %dma_wait3A_39 : memref<1x128xi32, #tpu.memory_space<hbm>> -> memref<128xi32, #tpu.memory_space<hbm>>
      tpu.wait_dma2 semaphore(%arg17 : memref<!tpu.dma_semaphore, #tpu.memory_space<semaphore_mem>>) src(%dma_wait3A_40 : memref<128xi32, #tpu.memory_space<hbm>>) dst(%arg8 : memref<128xi32, #tpu.memory_space<vmem>>)
      %add3A_41 = arith.constant 1 : i32
      %add3A_42 = arith.addi %multiple_of3A, %add3A_41 : i32
      %dma_start3A_43 = arith.constant 0 : i32
      %dma_start3A_44 = tpu.memref_slice %arg4[%add3A_42, %dma_start3A_43] : memref<2560x128xi32, #tpu.memory_space<hbm>> -> memref<1x128xi32, #tpu.memory_space<hbm>>
      %dma_start3A_45 = tpu.memref_squeeze %dma_start3A_44 : memref<1x128xi32, #tpu.memory_space<hbm>> -> memref<128xi32, #tpu.memory_space<hbm>>
      %dma_start3A_46 = arith.constant 0 : i32
      %dma_start3A_47 = tpu.memref_slice %arg4[%add3A_42, %dma_start3A_46] : memref<2560x128xi32, #tpu.memory_space<hbm>> -> memref<1x128xi32, #tpu.memory_space<hbm>>
      %dma_start3A_48 = tpu.memref_squeeze %dma_start3A_47 : memref<1x128xi32, #tpu.memory_space<hbm>> -> memref<128xi32, #tpu.memory_space<hbm>>
      tpu.enqueue_dma source(%dma_start3A_48 : memref<128xi32, #tpu.memory_space<hbm>>) target(%arg9 : memref<128xi32, #tpu.memory_space<vmem>>) target_semaphore(%arg18 : memref<!tpu.dma_semaphore, #tpu.memory_space<semaphore_mem>>)
      %dma_start3A_49 = arith.constant 1 : i32
      %dma_start3A_50 = arith.constant 0 : i32
      %dma_start3A_51 = tpu.memref_slice %arg7[%dma_start3A_49, %dma_start3A_50] : memref<16x128xi32, #tpu.memory_space<vmem>> -> memref<1x128xi32, #tpu.memory_space<vmem>>
      %dma_start3A_52 = tpu.memref_squeeze %dma_start3A_51 : memref<1x128xi32, #tpu.memory_space<vmem>> -> memref<128xi32, #tpu.memory_space<vmem>>
      %dma_start3A_53 = arith.constant 0 : i32
      %dma_start3A_54 = arith.constant 0 : i32
      %dma_start3A_55 = tpu.memref_slice %arg2[%dma_start3A_53, %dma_start3A_54] : memref<10000x128xf32, #tpu.memory_space<hbm>> -> memref<10000x128xf32, #tpu.memory_space<hbm>>
      tpu.enqueue_indirect_dma source(%dma_start3A_55 : memref<10000x128xf32, #tpu.memory_space<hbm>>) target(%arg11 : memref<128x128xf32, #tpu.memory_space<vmem>>) offsets(%dma_start3A_52 : memref<128xi32, #tpu.memory_space<vmem>>) semaphore(%arg14 : memref<!tpu.dma_semaphore, #tpu.memory_space<semaphore_mem>>)
      %dma_wait3A_56 = arith.constant 1 : i32
      %dma_wait3A_57 = arith.constant 0 : i32
      %dma_wait3A_58 = tpu.memref_slice %arg7[%dma_wait3A_56, %dma_wait3A_57] : memref<16x128xi32, #tpu.memory_space<vmem>> -> memref<1x128xi32, #tpu.memory_space<vmem>>
      %dma_wait3A_59 = tpu.memref_squeeze %dma_wait3A_58 : memref<1x128xi32, #tpu.memory_space<vmem>> -> memref<128xi32, #tpu.memory_space<vmem>>
      %dma_wait3A_60 = arith.constant 0 : i32
      %dma_wait3A_61 = arith.constant 0 : i32
      %dma_wait3A_62 = tpu.memref_slice %arg2[%dma_wait3A_60, %dma_wait3A_61] : memref<10000x128xf32, #tpu.memory_space<hbm>> -> memref<10000x128xf32, #tpu.memory_space<hbm>>
      tpu.wait_indirect_dma semaphore(%arg14 : memref<!tpu.dma_semaphore, #tpu.memory_space<semaphore_mem>>) src(%dma_wait3A_62 : memref<10000x128xf32, #tpu.memory_space<hbm>>) dst(%arg11 : memref<128x128xf32, #tpu.memory_space<vmem>>)
      %dma_wait3A_63 = arith.constant 0 : i32
      %dma_wait3A_64 = tpu.memref_slice %arg4[%add3A_42, %dma_wait3A_63] : memref<2560x128xi32, #tpu.memory_space<hbm>> -> memref<1x128xi32, #tpu.memory_space<hbm>>
      %dma_wait3A_65 = tpu.memref_squeeze %dma_wait3A_64 : memref<1x128xi32, #tpu.memory_space<hbm>> -> memref<128xi32, #tpu.memory_space<hbm>>
      %dma_wait3A_66 = arith.constant 0 : i32
      %dma_wait3A_67 = tpu.memref_slice %arg4[%add3A_42, %dma_wait3A_66] : memref<2560x128xi32, #tpu.memory_space<hbm>> -> memref<1x128xi32, #tpu.memory_space<hbm>>
      %dma_wait3A_68 = tpu.memref_squeeze %dma_wait3A_67 : memref<1x128xi32, #tpu.memory_space<hbm>> -> memref<128xi32, #tpu.memory_space<hbm>>
      tpu.wait_dma2 semaphore(%arg18 : memref<!tpu.dma_semaphore, #tpu.memory_space<semaphore_mem>>) src(%dma_wait3A_68 : memref<128xi32, #tpu.memory_space<hbm>>) dst(%arg9 : memref<128xi32, #tpu.memory_space<vmem>>)
      %add3A_69 = arith.constant 2 : i32
      %add3A_70 = arith.addi %multiple_of3A, %add3A_69 : i32
      %dma_start3A_71 = arith.constant 0 : i32
      %dma_start3A_72 = tpu.memref_slice %arg4[%add3A_70, %dma_start3A_71] : memref<2560x128xi32, #tpu.memory_space<hbm>> -> memref<1x128xi32, #tpu.memory_space<hbm>>
      %dma_start3A_73 = tpu.memref_squeeze %dma_start3A_72 : memref<1x128xi32, #tpu.memory_space<hbm>> -> memref<128xi32, #tpu.memory_space<hbm>>
      %dma_start3A_74 = arith.constant 0 : i32
      %dma_start3A_75 = tpu.memref_slice %arg4[%add3A_70, %dma_start3A_74] : memref<2560x128xi32, #tpu.memory_space<hbm>> -> memref<1x128xi32, #tpu.memory_space<hbm>>
      %dma_start3A_76 = tpu.memref_squeeze %dma_start3A_75 : memref<1x128xi32, #tpu.memory_space<hbm>> -> memref<128xi32, #tpu.memory_space<hbm>>
      tpu.enqueue_dma source(%dma_start3A_76 : memref<128xi32, #tpu.memory_space<hbm>>) target(%arg8 : memref<128xi32, #tpu.memory_space<vmem>>) target_semaphore(%arg17 : memref<!tpu.dma_semaphore, #tpu.memory_space<semaphore_mem>>)
      %dma_start3A_77 = arith.constant 2 : i32
      %dma_start3A_78 = arith.constant 0 : i32
      %dma_start3A_79 = tpu.memref_slice %arg7[%dma_start3A_77, %dma_start3A_78] : memref<16x128xi32, #tpu.memory_space<vmem>> -> memref<1x128xi32, #tpu.memory_space<vmem>>
      %dma_start3A_80 = tpu.memref_squeeze %dma_start3A_79 : memref<1x128xi32, #tpu.memory_space<vmem>> -> memref<128xi32, #tpu.memory_space<vmem>>
      %dma_start3A_81 = arith.constant 0 : i32
      %dma_start3A_82 = arith.constant 0 : i32
      %dma_start3A_83 = tpu.memref_slice %arg2[%dma_start3A_81, %dma_start3A_82] : memref<10000x128xf32, #tpu.memory_space<hbm>> -> memref<10000x128xf32, #tpu.memory_space<hbm>>
      tpu.enqueue_indirect_dma source(%dma_start3A_83 : memref<10000x128xf32, #tpu.memory_space<hbm>>) target(%arg10 : memref<128x128xf32, #tpu.memory_space<vmem>>) offsets(%dma_start3A_80 : memref<128xi32, #tpu.memory_space<vmem>>) semaphore(%arg13 : memref<!tpu.dma_semaphore, #tpu.memory_space<semaphore_mem>>)
      %dma_wait3A_84 = arith.constant 2 : i32
      %dma_wait3A_85 = arith.constant 0 : i32
      %dma_wait3A_86 = tpu.memref_slice %arg7[%dma_wait3A_84, %dma_wait3A_85] : memref<16x128xi32, #tpu.memory_space<vmem>> -> memref<1x128xi32, #tpu.memory_space<vmem>>
      %dma_wait3A_87 = tpu.memref_squeeze %dma_wait3A_86 : memref<1x128xi32, #tpu.memory_space<vmem>> -> memref<128xi32, #tpu.memory_space<vmem>>
      %dma_wait3A_88 = arith.constant 0 : i32
      %dma_wait3A_89 = arith.constant 0 : i32
      %dma_wait3A_90 = tpu.memref_slice %arg2[%dma_wait3A_88, %dma_wait3A_89] : memref<10000x128xf32, #tpu.memory_space<hbm>> -> memref<10000x128xf32, #tpu.memory_space<hbm>>
      tpu.wait_indirect_dma semaphore(%arg13 : memref<!tpu.dma_semaphore, #tpu.memory_space<semaphore_mem>>) src(%dma_wait3A_90 : memref<10000x128xf32, #tpu.memory_space<hbm>>) dst(%arg10 : memref<128x128xf32, #tpu.memory_space<vmem>>)
      %dma_wait3A_91 = arith.constant 0 : i32
      %dma_wait3A_92 = tpu.memref_slice %arg4[%add3A_70, %dma_wait3A_91] : memref<2560x128xi32, #tpu.memory_space<hbm>> -> memref<1x128xi32, #tpu.memory_space<hbm>>
      %dma_wait3A_93 = tpu.memref_squeeze %dma_wait3A_92 : memref<1x128xi32, #tpu.memory_space<hbm>> -> memref<128xi32, #tpu.memory_space<hbm>>
      %dma_wait3A_94 = arith.constant 0 : i32
      %dma_wait3A_95 = tpu.memref_slice %arg4[%add3A_70, %dma_wait3A_94] : memref<2560x128xi32, #tpu.memory_space<hbm>> -> memref<1x128xi32, #tpu.memory_space<hbm>>
      %dma_wait3A_96 = tpu.memref_squeeze %dma_wait3A_95 : memref<1x128xi32, #tpu.memory_space<hbm>> -> memref<128xi32, #tpu.memory_space<hbm>>
      tpu.wait_dma2 semaphore(%arg17 : memref<!tpu.dma_semaphore, #tpu.memory_space<semaphore_mem>>) src(%dma_wait3A_96 : memref<128xi32, #tpu.memory_space<hbm>>) dst(%arg8 : memref<128xi32, #tpu.memory_space<vmem>>)
      %add3A_97 = arith.constant 3 : i32
      %add3A_98 = arith.addi %multiple_of3A, %add3A_97 : i32
      %dma_start3A_99 = arith.constant 0 : i32
      %dma_start3A_100 = tpu.memref_slice %arg4[%add3A_98, %dma_start3A_99] : memref<2560x128xi32, #tpu.memory_space<hbm>> -> memref<1x128xi32, #tpu.memory_space<hbm>>
      %dma_start3A_101 = tpu.memref_squeeze %dma_start3A_100 : memref<1x128xi32, #tpu.memory_space<hbm>> -> memref<128xi32, #tpu.memory_space<hbm>>
      %dma_start3A_102 = arith.constant 0 : i32
      %dma_start3A_103 = tpu.memref_slice %arg4[%add3A_98, %dma_start3A_102] : memref<2560x128xi32, #tpu.memory_space<hbm>> -> memref<1x128xi32, #tpu.memory_space<hbm>>
      %dma_start3A_104 = tpu.memref_squeeze %dma_start3A_103 : memref<1x128xi32, #tpu.memory_space<hbm>> -> memref<128xi32, #tpu.memory_space<hbm>>
      tpu.enqueue_dma source(%dma_start3A_104 : memref<128xi32, #tpu.memory_space<hbm>>) target(%arg9 : memref<128xi32, #tpu.memory_space<vmem>>) target_semaphore(%arg18 : memref<!tpu.dma_semaphore, #tpu.memory_space<semaphore_mem>>)
      %dma_start3A_105 = arith.constant 3 : i32
      %dma_start3A_106 = arith.constant 0 : i32
      %dma_start3A_107 = tpu.memref_slice %arg7[%dma_start3A_105, %dma_start3A_106] : memref<16x128xi32, #tpu.memory_space<vmem>> -> memref<1x128xi32, #tpu.memory_space<vmem>>
      %dma_start3A_108 = tpu.memref_squeeze %dma_start3A_107 : memref<1x128xi32, #tpu.memory_space<vmem>> -> memref<128xi32, #tpu.memory_space<vmem>>
      %dma_start3A_109 = arith.constant 0 : i32
      %dma_start3A_110 = arith.constant 0 : i32
      %dma_start3A_111 = tpu.memref_slice %arg2[%dma_start3A_109, %dma_start3A_110] : memref<10000x128xf32, #tpu.memory_space<hbm>> -> memref<10000x128xf32, #tpu.memory_space<hbm>>
      tpu.enqueue_indirect_dma source(%dma_start3A_111 : memref<10000x128xf32, #tpu.memory_space<hbm>>) target(%arg11 : memref<128x128xf32, #tpu.memory_space<vmem>>) offsets(%dma_start3A_108 : memref<128xi32, #tpu.memory_space<vmem>>) semaphore(%arg14 : memref<!tpu.dma_semaphore, #tpu.memory_space<semaphore_mem>>)
      %dma_wait3A_112 = arith.constant 3 : i32
      %dma_wait3A_113 = arith.constant 0 : i32
      %dma_wait3A_114 = tpu.memref_slice %arg7[%dma_wait3A_112, %dma_wait3A_113] : memref<16x128xi32, #tpu.memory_space<vmem>> -> memref<1x128xi32, #tpu.memory_space<vmem>>
      %dma_wait3A_115 = tpu.memref_squeeze %dma_wait3A_114 : memref<1x128xi32, #tpu.memory_space<vmem>> -> memref<128xi32, #tpu.memory_space<vmem>>
      %dma_wait3A_116 = arith.constant 0 : i32
      %dma_wait3A_117 = arith.constant 0 : i32
      %dma_wait3A_118 = tpu.memref_slice %arg2[%dma_wait3A_116, %dma_wait3A_117] : memref<10000x128xf32, #tpu.memory_space<hbm>> -> memref<10000x128xf32, #tpu.memory_space<hbm>>
      tpu.wait_indirect_dma semaphore(%arg14 : memref<!tpu.dma_semaphore, #tpu.memory_space<semaphore_mem>>) src(%dma_wait3A_118 : memref<10000x128xf32, #tpu.memory_space<hbm>>) dst(%arg11 : memref<128x128xf32, #tpu.memory_space<vmem>>)
      %dma_wait3A_119 = arith.constant 0 : i32
      %dma_wait3A_120 = tpu.memref_slice %arg4[%add3A_98, %dma_wait3A_119] : memref<2560x128xi32, #tpu.memory_space<hbm>> -> memref<1x128xi32, #tpu.memory_space<hbm>>
      %dma_wait3A_121 = tpu.memref_squeeze %dma_wait3A_120 : memref<1x128xi32, #tpu.memory_space<hbm>> -> memref<128xi32, #tpu.memory_space<hbm>>
      %dma_wait3A_122 = arith.constant 0 : i32
      %dma_wait3A_123 = tpu.memref_slice %arg4[%add3A_98, %dma_wait3A_122] : memref<2560x128xi32, #tpu.memory_space<hbm>> -> memref<1x128xi32, #tpu.memory_space<hbm>>
      %dma_wait3A_124 = tpu.memref_squeeze %dma_wait3A_123 : memref<1x128xi32, #tpu.memory_space<hbm>> -> memref<128xi32, #tpu.memory_space<hbm>>
      tpu.wait_dma2 semaphore(%arg18 : memref<!tpu.dma_semaphore, #tpu.memory_space<semaphore_mem>>) src(%dma_wait3A_124 : memref<128xi32, #tpu.memory_space<hbm>>) dst(%arg9 : memref<128xi32, #tpu.memory_space<vmem>>)
      %add3A_125 = arith.constant 4 : i32
      %add3A_126 = arith.addi %multiple_of3A, %add3A_125 : i32
      %dma_start3A_127 = arith.constant 0 : i32
      %dma_start3A_128 = tpu.memref_slice %arg4[%add3A_126, %dma_start3A_127] : memref<2560x128xi32, #tpu.memory_space<hbm>> -> memref<1x128xi32, #tpu.memory_space<hbm>>
      %dma_start3A_129 = tpu.memref_squeeze %dma_start3A_128 : memref<1x128xi32, #tpu.memory_space<hbm>> -> memref<128xi32, #tpu.memory_space<hbm>>
      %dma_start3A_130 = arith.constant 0 : i32
      %dma_start3A_131 = tpu.memref_slice %arg4[%add3A_126, %dma_start3A_130] : memref<2560x128xi32, #tpu.memory_space<hbm>> -> memref<1x128xi32, #tpu.memory_space<hbm>>
      %dma_start3A_132 = tpu.memref_squeeze %dma_start3A_131 : memref<1x128xi32, #tpu.memory_space<hbm>> -> memref<128xi32, #tpu.memory_space<hbm>>
      tpu.enqueue_dma source(%dma_start3A_132 : memref<128xi32, #tpu.memory_space<hbm>>) target(%arg8 : memref<128xi32, #tpu.memory_space<vmem>>) target_semaphore(%arg17 : memref<!tpu.dma_semaphore, #tpu.memory_space<semaphore_mem>>)
      %dma_start3A_133 = arith.constant 4 : i32
      %dma_start3A_134 = arith.constant 0 : i32
      %dma_start3A_135 = tpu.memref_slice %arg7[%dma_start3A_133, %dma_start3A_134] : memref<16x128xi32, #tpu.memory_space<vmem>> -> memref<1x128xi32, #tpu.memory_space<vmem>>
      %dma_start3A_136 = tpu.memref_squeeze %dma_start3A_135 : memref<1x128xi32, #tpu.memory_space<vmem>> -> memref<128xi32, #tpu.memory_space<vmem>>
      %dma_start3A_137 = arith.constant 0 : i32
      %dma_start3A_138 = arith.constant 0 : i32
      %dma_start3A_139 = tpu.memref_slice %arg2[%dma_start3A_137, %dma_start3A_138] : memref<10000x128xf32, #tpu.memory_space<hbm>> -> memref<10000x128xf32, #tpu.memory_space<hbm>>
      tpu.enqueue_indirect_dma source(%dma_start3A_139 : memref<10000x128xf32, #tpu.memory_space<hbm>>) target(%arg10 : memref<128x128xf32, #tpu.memory_space<vmem>>) offsets(%dma_start3A_136 : memref<128xi32, #tpu.memory_space<vmem>>) semaphore(%arg13 : memref<!tpu.dma_semaphore, #tpu.memory_space<semaphore_mem>>)
      %dma_wait3A_140 = arith.constant 4 : i32
      %dma_wait3A_141 = arith.constant 0 : i32
      %dma_wait3A_142 = tpu.memref_slice %arg7[%dma_wait3A_140, %dma_wait3A_141] : memref<16x128xi32, #tpu.memory_space<vmem>> -> memref<1x128xi32, #tpu.memory_space<vmem>>
      %dma_wait3A_143 = tpu.memref_squeeze %dma_wait3A_142 : memref<1x128xi32, #tpu.memory_space<vmem>> -> memref<128xi32, #tpu.memory_space<vmem>>
      %dma_wait3A_144 = arith.constant 0 : i32
      %dma_wait3A_145 = arith.constant 0 : i32
      %dma_wait3A_146 = tpu.memref_slice %arg2[%dma_wait3A_144, %dma_wait3A_145] : memref<10000x128xf32, #tpu.memory_space<hbm>> -> memref<10000x128xf32, #tpu.memory_space<hbm>>
      tpu.wait_indirect_dma semaphore(%arg13 : memref<!tpu.dma_semaphore, #tpu.memory_space<semaphore_mem>>) src(%dma_wait3A_146 : memref<10000x128xf32, #tpu.memory_space<hbm>>) dst(%arg10 : memref<128x128xf32, #tpu.memory_space<vmem>>)
      %dma_wait3A_147 = arith.constant 0 : i32
      %dma_wait3A_148 = tpu.memref_slice %arg4[%add3A_126, %dma_wait3A_147] : memref<2560x128xi32, #tpu.memory_space<hbm>> -> memref<1x128xi32, #tpu.memory_space<hbm>>
      %dma_wait3A_149 = tpu.memref_squeeze %dma_wait3A_148 : memref<1x128xi32, #tpu.memory_space<hbm>> -> memref<128xi32, #tpu.memory_space<hbm>>
      %dma_wait3A_150 = arith.constant 0 : i32
      %dma_wait3A_151 = tpu.memref_slice %arg4[%add3A_126, %dma_wait3A_150] : memref<2560x128xi32, #tpu.memory_space<hbm>> -> memref<1x128xi32, #tpu.memory_space<hbm>>
      %dma_wait3A_152 = tpu.memref_squeeze %dma_wait3A_151 : memref<1x128xi32, #tpu.memory_space<hbm>> -> memref<128xi32, #tpu.memory_space<hbm>>
      tpu.wait_dma2 semaphore(%arg17 : memref<!tpu.dma_semaphore, #tpu.memory_space<semaphore_mem>>) src(%dma_wait3A_152 : memref<128xi32, #tpu.memory_space<hbm>>) dst(%arg8 : memref<128xi32, #tpu.memory_space<vmem>>)
      %add3A_153 = arith.constant 5 : i32
      %add3A_154 = arith.addi %multiple_of3A, %add3A_153 : i32
      %dma_start3A_155 = arith.constant 0 : i32
      %dma_start3A_156 = tpu.memref_slice %arg4[%add3A_154, %dma_start3A_155] : memref<2560x128xi32, #tpu.memory_space<hbm>> -> memref<1x128xi32, #tpu.memory_space<hbm>>
      %dma_start3A_157 = tpu.memref_squeeze %dma_start3A_156 : memref<1x128xi32, #tpu.memory_space<hbm>> -> memref<128xi32, #tpu.memory_space<hbm>>
      %dma_start3A_158 = arith.constant 0 : i32
      %dma_start3A_159 = tpu.memref_slice %arg4[%add3A_154, %dma_start3A_158] : memref<2560x128xi32, #tpu.memory_space<hbm>> -> memref<1x128xi32, #tpu.memory_space<hbm>>
      %dma_start3A_160 = tpu.memref_squeeze %dma_start3A_159 : memref<1x128xi32, #tpu.memory_space<hbm>> -> memref<128xi32, #tpu.memory_space<hbm>>
      tpu.enqueue_dma source(%dma_start3A_160 : memref<128xi32, #tpu.memory_space<hbm>>) target(%arg9 : memref<128xi32, #tpu.memory_space<vmem>>) target_semaphore(%arg18 : memref<!tpu.dma_semaphore, #tpu.memory_space<semaphore_mem>>)
      %dma_start3A_161 = arith.constant 5 : i32
      %dma_start3A_162 = arith.constant 0 : i32
      %dma_start3A_163 = tpu.memref_slice %arg7[%dma_start3A_161, %dma_start3A_162] : memref<16x128xi32, #tpu.memory_space<vmem>> -> memref<1x128xi32, #tpu.memory_space<vmem>>
      %dma_start3A_164 = tpu.memref_squeeze %dma_start3A_163 : memref<1x128xi32, #tpu.memory_space<vmem>> -> memref<128xi32, #tpu.memory_space<vmem>>
      %dma_start3A_165 = arith.constant 0 : i32
      %dma_start3A_166 = arith.constant 0 : i32
      %dma_start3A_167 = tpu.memref_slice %arg2[%dma_start3A_165, %dma_start3A_166] : memref<10000x128xf32, #tpu.memory_space<hbm>> -> memref<10000x128xf32, #tpu.memory_space<hbm>>
      tpu.enqueue_indirect_dma source(%dma_start3A_167 : memref<10000x128xf32, #tpu.memory_space<hbm>>) target(%arg11 : memref<128x128xf32, #tpu.memory_space<vmem>>) offsets(%dma_start3A_164 : memref<128xi32, #tpu.memory_space<vmem>>) semaphore(%arg14 : memref<!tpu.dma_semaphore, #tpu.memory_space<semaphore_mem>>)
      %dma_wait3A_168 = arith.constant 5 : i32
      %dma_wait3A_169 = arith.constant 0 : i32
      %dma_wait3A_170 = tpu.memref_slice %arg7[%dma_wait3A_168, %dma_wait3A_169] : memref<16x128xi32, #tpu.memory_space<vmem>> -> memref<1x128xi32, #tpu.memory_space<vmem>>
      %dma_wait3A_171 = tpu.memref_squeeze %dma_wait3A_170 : memref<1x128xi32, #tpu.memory_space<vmem>> -> memref<128xi32, #tpu.memory_space<vmem>>
      %dma_wait3A_172 = arith.constant 0 : i32
      %dma_wait3A_173 = arith.constant 0 : i32
      %dma_wait3A_174 = tpu.memref_slice %arg2[%dma_wait3A_172, %dma_wait3A_173] : memref<10000x128xf32, #tpu.memory_space<hbm>> -> memref<10000x128xf32, #tpu.memory_space<hbm>>
      tpu.wait_indirect_dma semaphore(%arg14 : memref<!tpu.dma_semaphore, #tpu.memory_space<semaphore_mem>>) src(%dma_wait3A_174 : memref<10000x128xf32, #tpu.memory_space<hbm>>) dst(%arg11 : memref<128x128xf32, #tpu.memory_space<vmem>>)
      %dma_wait3A_175 = arith.constant 0 : i32
      %dma_wait3A_176 = tpu.memref_slice %arg4[%add3A_154, %dma_wait3A_175] : memref<2560x128xi32, #tpu.memory_space<hbm>> -> memref<1x128xi32, #tpu.memory_space<hbm>>
      %dma_wait3A_177 = tpu.memref_squeeze %dma_wait3A_176 : memref<1x128xi32, #tpu.memory_space<hbm>> -> memref<128xi32, #tpu.memory_space<hbm>>
      %dma_wait3A_178 = arith.constant 0 : i32
      %dma_wait3A_179 = tpu.memref_slice %arg4[%add3A_154, %dma_wait3A_178] : memref<2560x128xi32, #tpu.memory_space<hbm>> -> memref<1x128xi32, #tpu.memory_space<hbm>>
      %dma_wait3A_180 = tpu.memref_squeeze %dma_wait3A_179 : memref<1x128xi32, #tpu.memory_space<hbm>> -> memref<128xi32, #tpu.memory_space<hbm>>
      tpu.wait_dma2 semaphore(%arg18 : memref<!tpu.dma_semaphore, #tpu.memory_space<semaphore_mem>>) src(%dma_wait3A_180 : memref<128xi32, #tpu.memory_space<hbm>>) dst(%arg9 : memref<128xi32, #tpu.memory_space<vmem>>)
      %add3A_181 = arith.constant 6 : i32
      %add3A_182 = arith.addi %multiple_of3A, %add3A_181 : i32
      %dma_start3A_183 = arith.constant 0 : i32
      %dma_start3A_184 = tpu.memref_slice %arg4[%add3A_182, %dma_start3A_183] : memref<2560x128xi32, #tpu.memory_space<hbm>> -> memref<1x128xi32, #tpu.memory_space<hbm>>
      %dma_start3A_185 = tpu.memref_squeeze %dma_start3A_184 : memref<1x128xi32, #tpu.memory_space<hbm>> -> memref<128xi32, #tpu.memory_space<hbm>>
      %dma_start3A_186 = arith.constant 0 : i32
      %dma_start3A_187 = tpu.memref_slice %arg4[%add3A_182, %dma_start3A_186] : memref<2560x128xi32, #tpu.memory_space<hbm>> -> memref<1x128xi32, #tpu.memory_space<hbm>>
      %dma_start3A_188 = tpu.memref_squeeze %dma_start3A_187 : memref<1x128xi32, #tpu.memory_space<hbm>> -> memref<128xi32, #tpu.memory_space<hbm>>
      tpu.enqueue_dma source(%dma_start3A_188 : memref<128xi32, #tpu.memory_space<hbm>>) target(%arg8 : memref<128xi32, #tpu.memory_space<vmem>>) target_semaphore(%arg17 : memref<!tpu.dma_semaphore, #tpu.memory_space<semaphore_mem>>)
      %dma_start3A_189 = arith.constant 6 : i32
      %dma_start3A_190 = arith.constant 0 : i32
      %dma_start3A_191 = tpu.memref_slice %arg7[%dma_start3A_189, %dma_start3A_190] : memref<16x128xi32, #tpu.memory_space<vmem>> -> memref<1x128xi32, #tpu.memory_space<vmem>>
      %dma_start3A_192 = tpu.memref_squeeze %dma_start3A_191 : memref<1x128xi32, #tpu.memory_space<vmem>> -> memref<128xi32, #tpu.memory_space<vmem>>
      %dma_start3A_193 = arith.constant 0 : i32
      %dma_start3A_194 = arith.constant 0 : i32
      %dma_start3A_195 = tpu.memref_slice %arg2[%dma_start3A_193, %dma_start3A_194] : memref<10000x128xf32, #tpu.memory_space<hbm>> -> memref<10000x128xf32, #tpu.memory_space<hbm>>
      tpu.enqueue_indirect_dma source(%dma_start3A_195 : memref<10000x128xf32, #tpu.memory_space<hbm>>) target(%arg10 : memref<128x128xf32, #tpu.memory_space<vmem>>) offsets(%dma_start3A_192 : memref<128xi32, #tpu.memory_space<vmem>>) semaphore(%arg13 : memref<!tpu.dma_semaphore, #tpu.memory_space<semaphore_mem>>)
      %dma_wait3A_196 = arith.constant 6 : i32
      %dma_wait3A_197 = arith.constant 0 : i32
      %dma_wait3A_198 = tpu.memref_slice %arg7[%dma_wait3A_196, %dma_wait3A_197] : memref<16x128xi32, #tpu.memory_space<vmem>> -> memref<1x128xi32, #tpu.memory_space<vmem>>
      %dma_wait3A_199 = tpu.memref_squeeze %dma_wait3A_198 : memref<1x128xi32, #tpu.memory_space<vmem>> -> memref<128xi32, #tpu.memory_space<vmem>>
      %dma_wait3A_200 = arith.constant 0 : i32
      %dma_wait3A_201 = arith.constant 0 : i32
      %dma_wait3A_202 = tpu.memref_slice %arg2[%dma_wait3A_200, %dma_wait3A_201] : memref<10000x128xf32, #tpu.memory_space<hbm>> -> memref<10000x128xf32, #tpu.memory_space<hbm>>
      tpu.wait_indirect_dma semaphore(%arg13 : memref<!tpu.dma_semaphore, #tpu.memory_space<semaphore_mem>>) src(%dma_wait3A_202 : memref<10000x128xf32, #tpu.memory_space<hbm>>) dst(%arg10 : memref<128x128xf32, #tpu.memory_space<vmem>>)
      %dma_wait3A_203 = arith.constant 0 : i32
      %dma_wait3A_204 = tpu.memref_slice %arg4[%add3A_182, %dma_wait3A_203] : memref<2560x128xi32, #tpu.memory_space<hbm>> -> memref<1x128xi32, #tpu.memory_space<hbm>>
      %dma_wait3A_205 = tpu.memref_squeeze %dma_wait3A_204 : memref<1x128xi32, #tpu.memory_space<hbm>> -> memref<128xi32, #tpu.memory_space<hbm>>
      %dma_wait3A_206 = arith.constant 0 : i32
      %dma_wait3A_207 = tpu.memref_slice %arg4[%add3A_182, %dma_wait3A_206] : memref<2560x128xi32, #tpu.memory_space<hbm>> -> memref<1x128xi32, #tpu.memory_space<hbm>>
      %dma_wait3A_208 = tpu.memref_squeeze %dma_wait3A_207 : memref<1x128xi32, #tpu.memory_space<hbm>> -> memref<128xi32, #tpu.memory_space<hbm>>
      tpu.wait_dma2 semaphore(%arg17 : memref<!tpu.dma_semaphore, #tpu.memory_space<semaphore_mem>>) src(%dma_wait3A_208 : memref<128xi32, #tpu.memory_space<hbm>>) dst(%arg8 : memref<128xi32, #tpu.memory_space<vmem>>)
      %add3A_209 = arith.constant 7 : i32
      %add3A_210 = arith.addi %multiple_of3A, %add3A_209 : i32
      %dma_start3A_211 = arith.constant 0 : i32
      %dma_start3A_212 = tpu.memref_slice %arg4[%add3A_210, %dma_start3A_211] : memref<2560x128xi32, #tpu.memory_space<hbm>> -> memref<1x128xi32, #tpu.memory_space<hbm>>
      %dma_start3A_213 = tpu.memref_squeeze %dma_start3A_212 : memref<1x128xi32, #tpu.memory_space<hbm>> -> memref<128xi32, #tpu.memory_space<hbm>>
      %dma_start3A_214 = arith.constant 0 : i32
      %dma_start3A_215 = tpu.memref_slice %arg4[%add3A_210, %dma_start3A_214] : memref<2560x128xi32, #tpu.memory_space<hbm>> -> memref<1x128xi32, #tpu.memory_space<hbm>>
      %dma_start3A_216 = tpu.memref_squeeze %dma_start3A_215 : memref<1x128xi32, #tpu.memory_space<hbm>> -> memref<128xi32, #tpu.memory_space<hbm>>
      tpu.enqueue_dma source(%dma_start3A_216 : memref<128xi32, #tpu.memory_space<hbm>>) target(%arg9 : memref<128xi32, #tpu.memory_space<vmem>>) target_semaphore(%arg18 : memref<!tpu.dma_semaphore, #tpu.memory_space<semaphore_mem>>)
      %dma_start3A_217 = arith.constant 7 : i32
      %dma_start3A_218 = arith.constant 0 : i32
      %dma_start3A_219 = tpu.memref_slice %arg7[%dma_start3A_217, %dma_start3A_218] : memref<16x128xi32, #tpu.memory_space<vmem>> -> memref<1x128xi32, #tpu.memory_space<vmem>>
      %dma_start3A_220 = tpu.memref_squeeze %dma_start3A_219 : memref<1x128xi32, #tpu.memory_space<vmem>> -> memref<128xi32, #tpu.memory_space<vmem>>
      %dma_start3A_221 = arith.constant 0 : i32
      %dma_start3A_222 = arith.constant 0 : i32
      %dma_start3A_223 = tpu.memref_slice %arg2[%dma_start3A_221, %dma_start3A_222] : memref<10000x128xf32, #tpu.memory_space<hbm>> -> memref<10000x128xf32, #tpu.memory_space<hbm>>
      tpu.enqueue_indirect_dma source(%dma_start3A_223 : memref<10000x128xf32, #tpu.memory_space<hbm>>) target(%arg11 : memref<128x128xf32, #tpu.memory_space<vmem>>) offsets(%dma_start3A_220 : memref<128xi32, #tpu.memory_space<vmem>>) semaphore(%arg14 : memref<!tpu.dma_semaphore, #tpu.memory_space<semaphore_mem>>)
      %dma_wait3A_224 = arith.constant 7 : i32
      %dma_wait3A_225 = arith.constant 0 : i32
      %dma_wait3A_226 = tpu.memref_slice %arg7[%dma_wait3A_224, %dma_wait3A_225] : memref<16x128xi32, #tpu.memory_space<vmem>> -> memref<1x128xi32, #tpu.memory_space<vmem>>
      %dma_wait3A_227 = tpu.memref_squeeze %dma_wait3A_226 : memref<1x128xi32, #tpu.memory_space<vmem>> -> memref<128xi32, #tpu.memory_space<vmem>>
      %dma_wait3A_228 = arith.constant 0 : i32
      %dma_wait3A_229 = arith.constant 0 : i32
      %dma_wait3A_230 = tpu.memref_slice %arg2[%dma_wait3A_228, %dma_wait3A_229] : memref<10000x128xf32, #tpu.memory_space<hbm>> -> memref<10000x128xf32, #tpu.memory_space<hbm>>
      tpu.wait_indirect_dma semaphore(%arg14 : memref<!tpu.dma_semaphore, #tpu.memory_space<semaphore_mem>>) src(%dma_wait3A_230 : memref<10000x128xf32, #tpu.memory_space<hbm>>) dst(%arg11 : memref<128x128xf32, #tpu.memory_space<vmem>>)
      %dma_wait3A_231 = arith.constant 0 : i32
      %dma_wait3A_232 = tpu.memref_slice %arg4[%add3A_210, %dma_wait3A_231] : memref<2560x128xi32, #tpu.memory_space<hbm>> -> memref<1x128xi32, #tpu.memory_space<hbm>>
      %dma_wait3A_233 = tpu.memref_squeeze %dma_wait3A_232 : memref<1x128xi32, #tpu.memory_space<hbm>> -> memref<128xi32, #tpu.memory_space<hbm>>
      %dma_wait3A_234 = arith.constant 0 : i32
      %dma_wait3A_235 = tpu.memref_slice %arg4[%add3A_210, %dma_wait3A_234] : memref<2560x128xi32, #tpu.memory_space<hbm>> -> memref<1x128xi32, #tpu.memory_space<hbm>>
      %dma_wait3A_236 = tpu.memref_squeeze %dma_wait3A_235 : memref<1x128xi32, #tpu.memory_space<hbm>> -> memref<128xi32, #tpu.memory_space<hbm>>
      tpu.wait_dma2 semaphore(%arg18 : memref<!tpu.dma_semaphore, #tpu.memory_space<semaphore_mem>>) src(%dma_wait3A_236 : memref<128xi32, #tpu.memory_space<hbm>>) dst(%arg9 : memref<128xi32, #tpu.memory_space<vmem>>)
      %add3A_237 = arith.constant 8 : i32
      %add3A_238 = arith.addi %multiple_of3A, %add3A_237 : i32
      %dma_start3A_239 = arith.constant 0 : i32
      %dma_start3A_240 = tpu.memref_slice %arg4[%add3A_238, %dma_start3A_239] : memref<2560x128xi32, #tpu.memory_space<hbm>> -> memref<1x128xi32, #tpu.memory_space<hbm>>
      %dma_start3A_241 = tpu.memref_squeeze %dma_start3A_240 : memref<1x128xi32, #tpu.memory_space<hbm>> -> memref<128xi32, #tpu.memory_space<hbm>>
      %dma_start3A_242 = arith.constant 0 : i32
      %dma_start3A_243 = tpu.memref_slice %arg4[%add3A_238, %dma_start3A_242] : memref<2560x128xi32, #tpu.memory_space<hbm>> -> memref<1x128xi32, #tpu.memory_space<hbm>>
      %dma_start3A_244 = tpu.memref_squeeze %dma_start3A_243 : memref<1x128xi32, #tpu.memory_space<hbm>> -> memref<128xi32, #tpu.memory_space<hbm>>
      tpu.enqueue_dma source(%dma_start3A_244 : memref<128xi32, #tpu.memory_space<hbm>>) target(%arg8 : memref<128xi32, #tpu.memory_space<vmem>>) target_semaphore(%arg17 : memref<!tpu.dma_semaphore, #tpu.memory_space<semaphore_mem>>)
      %dma_start3A_245 = arith.constant 8 : i32
      %dma_start3A_246 = arith.constant 0 : i32
      %dma_start3A_247 = tpu.memref_slice %arg7[%dma_start3A_245, %dma_start3A_246] : memref<16x128xi32, #tpu.memory_space<vmem>> -> memref<1x128xi32, #tpu.memory_space<vmem>>
      %dma_start3A_248 = tpu.memref_squeeze %dma_start3A_247 : memref<1x128xi32, #tpu.memory_space<vmem>> -> memref<128xi32, #tpu.memory_space<vmem>>
      %dma_start3A_249 = arith.constant 0 : i32
      %dma_start3A_250 = arith.constant 0 : i32
      %dma_start3A_251 = tpu.memref_slice %arg2[%dma_start3A_249, %dma_start3A_250] : memref<10000x128xf32, #tpu.memory_space<hbm>> -> memref<10000x128xf32, #tpu.memory_space<hbm>>
      tpu.enqueue_indirect_dma source(%dma_start3A_251 : memref<10000x128xf32, #tpu.memory_space<hbm>>) target(%arg10 : memref<128x128xf32, #tpu.memory_space<vmem>>) offsets(%dma_start3A_248 : memref<128xi32, #tpu.memory_space<vmem>>) semaphore(%arg13 : memref<!tpu.dma_semaphore, #tpu.memory_space<semaphore_mem>>)
      %dma_wait3A_252 = arith.constant 8 : i32
      %dma_wait3A_253 = arith.constant 0 : i32
      %dma_wait3A_254 = tpu.memref_slice %arg7[%dma_wait3A_252, %dma_wait3A_253] : memref<16x128xi32, #tpu.memory_space<vmem>> -> memref<1x128xi32, #tpu.memory_space<vmem>>
      %dma_wait3A_255 = tpu.memref_squeeze %dma_wait3A_254 : memref<1x128xi32, #tpu.memory_space<vmem>> -> memref<128xi32, #tpu.memory_space<vmem>>
      %dma_wait3A_256 = arith.constant 0 : i32
      %dma_wait3A_257 = arith.constant 0 : i32
      %dma_wait3A_258 = tpu.memref_slice %arg2[%dma_wait3A_256, %dma_wait3A_257] : memref<10000x128xf32, #tpu.memory_space<hbm>> -> memref<10000x128xf32, #tpu.memory_space<hbm>>
      tpu.wait_indirect_dma semaphore(%arg13 : memref<!tpu.dma_semaphore, #tpu.memory_space<semaphore_mem>>) src(%dma_wait3A_258 : memref<10000x128xf32, #tpu.memory_space<hbm>>) dst(%arg10 : memref<128x128xf32, #tpu.memory_space<vmem>>)
      %dma_wait3A_259 = arith.constant 0 : i32
      %dma_wait3A_260 = tpu.memref_slice %arg4[%add3A_238, %dma_wait3A_259] : memref<2560x128xi32, #tpu.memory_space<hbm>> -> memref<1x128xi32, #tpu.memory_space<hbm>>
      %dma_wait3A_261 = tpu.memref_squeeze %dma_wait3A_260 : memref<1x128xi32, #tpu.memory_space<hbm>> -> memref<128xi32, #tpu.memory_space<hbm>>
      %dma_wait3A_262 = arith.constant 0 : i32
      %dma_wait3A_263 = tpu.memref_slice %arg4[%add3A_238, %dma_wait3A_262] : memref<2560x128xi32, #tpu.memory_space<hbm>> -> memref<1x128xi32, #tpu.memory_space<hbm>>
      %dma_wait3A_264 = tpu.memref_squeeze %dma_wait3A_263 : memref<1x128xi32, #tpu.memory_space<hbm>> -> memref<128xi32, #tpu.memory_space<hbm>>
      tpu.wait_dma2 semaphore(%arg17 : memref<!tpu.dma_semaphore, #tpu.memory_space<semaphore_mem>>) src(%dma_wait3A_264 : memref<128xi32, #tpu.memory_space<hbm>>) dst(%arg8 : memref<128xi32, #tpu.memory_space<vmem>>)
      %add3A_265 = arith.constant 9 : i32
      %add3A_266 = arith.addi %multiple_of3A, %add3A_265 : i32
      %dma_start3A_267 = arith.constant 0 : i32
      %dma_start3A_268 = tpu.memref_slice %arg4[%add3A_266, %dma_start3A_267] : memref<2560x128xi32, #tpu.memory_space<hbm>> -> memref<1x128xi32, #tpu.memory_space<hbm>>
      %dma_start3A_269 = tpu.memref_squeeze %dma_start3A_268 : memref<1x128xi32, #tpu.memory_space<hbm>> -> memref<128xi32, #tpu.memory_space<hbm>>
      %dma_start3A_270 = arith.constant 0 : i32
      %dma_start3A_271 = tpu.memref_slice %arg4[%add3A_266, %dma_start3A_270] : memref<2560x128xi32, #tpu.memory_space<hbm>> -> memref<1x128xi32, #tpu.memory_space<hbm>>
      %dma_start3A_272 = tpu.memref_squeeze %dma_start3A_271 : memref<1x128xi32, #tpu.memory_space<hbm>> -> memref<128xi32, #tpu.memory_space<hbm>>
      tpu.enqueue_dma source(%dma_start3A_272 : memref<128xi32, #tpu.memory_space<hbm>>) target(%arg9 : memref<128xi32, #tpu.memory_space<vmem>>) target_semaphore(%arg18 : memref<!tpu.dma_semaphore, #tpu.memory_space<semaphore_mem>>)
      %dma_start3A_273 = arith.constant 9 : i32
      %dma_start3A_274 = arith.constant 0 : i32
      %dma_start3A_275 = tpu.memref_slice %arg7[%dma_start3A_273, %dma_start3A_274] : memref<16x128xi32, #tpu.memory_space<vmem>> -> memref<1x128xi32, #tpu.memory_space<vmem>>
      %dma_start3A_276 = tpu.memref_squeeze %dma_start3A_275 : memref<1x128xi32, #tpu.memory_space<vmem>> -> memref<128xi32, #tpu.memory_space<vmem>>
      %dma_start3A_277 = arith.constant 0 : i32
      %dma_start3A_278 = arith.constant 0 : i32
      %dma_start3A_279 = tpu.memref_slice %arg2[%dma_start3A_277, %dma_start3A_278] : memref<10000x128xf32, #tpu.memory_space<hbm>> -> memref<10000x128xf32, #tpu.memory_space<hbm>>
      tpu.enqueue_indirect_dma source(%dma_start3A_279 : memref<10000x128xf32, #tpu.memory_space<hbm>>) target(%arg11 : memref<128x128xf32, #tpu.memory_space<vmem>>) offsets(%dma_start3A_276 : memref<128xi32, #tpu.memory_space<vmem>>) semaphore(%arg14 : memref<!tpu.dma_semaphore, #tpu.memory_space<semaphore_mem>>)
      %dma_wait3A_280 = arith.constant 9 : i32
      %dma_wait3A_281 = arith.constant 0 : i32
      %dma_wait3A_282 = tpu.memref_slice %arg7[%dma_wait3A_280, %dma_wait3A_281] : memref<16x128xi32, #tpu.memory_space<vmem>> -> memref<1x128xi32, #tpu.memory_space<vmem>>
      %dma_wait3A_283 = tpu.memref_squeeze %dma_wait3A_282 : memref<1x128xi32, #tpu.memory_space<vmem>> -> memref<128xi32, #tpu.memory_space<vmem>>
      %dma_wait3A_284 = arith.constant 0 : i32
      %dma_wait3A_285 = arith.constant 0 : i32
      %dma_wait3A_286 = tpu.memref_slice %arg2[%dma_wait3A_284, %dma_wait3A_285] : memref<10000x128xf32, #tpu.memory_space<hbm>> -> memref<10000x128xf32, #tpu.memory_space<hbm>>
      tpu.wait_indirect_dma semaphore(%arg14 : memref<!tpu.dma_semaphore, #tpu.memory_space<semaphore_mem>>) src(%dma_wait3A_286 : memref<10000x128xf32, #tpu.memory_space<hbm>>) dst(%arg11 : memref<128x128xf32, #tpu.memory_space<vmem>>)
      %dma_wait3A_287 = arith.constant 0 : i32
      %dma_wait3A_288 = tpu.memref_slice %arg4[%add3A_266, %dma_wait3A_287] : memref<2560x128xi32, #tpu.memory_space<hbm>> -> memref<1x128xi32, #tpu.memory_space<hbm>>
      %dma_wait3A_289 = tpu.memref_squeeze %dma_wait3A_288 : memref<1x128xi32, #tpu.memory_space<hbm>> -> memref<128xi32, #tpu.memory_space<hbm>>
      %dma_wait3A_290 = arith.constant 0 : i32
      %dma_wait3A_291 = tpu.memref_slice %arg4[%add3A_266, %dma_wait3A_290] : memref<2560x128xi32, #tpu.memory_space<hbm>> -> memref<1x128xi32, #tpu.memory_space<hbm>>
      %dma_wait3A_292 = tpu.memref_squeeze %dma_wait3A_291 : memref<1x128xi32, #tpu.memory_space<hbm>> -> memref<128xi32, #tpu.memory_space<hbm>>
      tpu.wait_dma2 semaphore(%arg18 : memref<!tpu.dma_semaphore, #tpu.memory_space<semaphore_mem>>) src(%dma_wait3A_292 : memref<128xi32, #tpu.memory_space<hbm>>) dst(%arg9 : memref<128xi32, #tpu.memory_space<vmem>>)
      %add3A_293 = arith.constant 10 : i32
      %add3A_294 = arith.addi %multiple_of3A, %add3A_293 : i32
      %dma_start3A_295 = arith.constant 0 : i32
      %dma_start3A_296 = tpu.memref_slice %arg4[%add3A_294, %dma_start3A_295] : memref<2560x128xi32, #tpu.memory_space<hbm>> -> memref<1x128xi32, #tpu.memory_space<hbm>>
      %dma_start3A_297 = tpu.memref_squeeze %dma_start3A_296 : memref<1x128xi32, #tpu.memory_space<hbm>> -> memref<128xi32, #tpu.memory_space<hbm>>
      %dma_start3A_298 = arith.constant 0 : i32
      %dma_start3A_299 = tpu.memref_slice %arg4[%add3A_294, %dma_start3A_298] : memref<2560x128xi32, #tpu.memory_space<hbm>> -> memref<1x128xi32, #tpu.memory_space<hbm>>
      %dma_start3A_300 = tpu.memref_squeeze %dma_start3A_299 : memref<1x128xi32, #tpu.memory_space<hbm>> -> memref<128xi32, #tpu.memory_space<hbm>>
      tpu.enqueue_dma source(%dma_start3A_300 : memref<128xi32, #tpu.memory_space<hbm>>) target(%arg8 : memref<128xi32, #tpu.memory_space<vmem>>) target_semaphore(%arg17 : memref<!tpu.dma_semaphore, #tpu.memory_space<semaphore_mem>>)
      %dma_start3A_301 = arith.constant 10 : i32
      %dma_start3A_302 = arith.constant 0 : i32
      %dma_start3A_303 = tpu.memref_slice %arg7[%dma_start3A_301, %dma_start3A_302] : memref<16x128xi32, #tpu.memory_space<vmem>> -> memref<1x128xi32, #tpu.memory_space<vmem>>
      %dma_start3A_304 = tpu.memref_squeeze %dma_start3A_303 : memref<1x128xi32, #tpu.memory_space<vmem>> -> memref<128xi32, #tpu.memory_space<vmem>>
      %dma_start3A_305 = arith.constant 0 : i32
      %dma_start3A_306 = arith.constant 0 : i32
      %dma_start3A_307 = tpu.memref_slice %arg2[%dma_start3A_305, %dma_start3A_306] : memref<10000x128xf32, #tpu.memory_space<hbm>> -> memref<10000x128xf32, #tpu.memory_space<hbm>>
      tpu.enqueue_indirect_dma source(%dma_start3A_307 : memref<10000x128xf32, #tpu.memory_space<hbm>>) target(%arg10 : memref<128x128xf32, #tpu.memory_space<vmem>>) offsets(%dma_start3A_304 : memref<128xi32, #tpu.memory_space<vmem>>) semaphore(%arg13 : memref<!tpu.dma_semaphore, #tpu.memory_space<semaphore_mem>>)
      %dma_wait3A_308 = arith.constant 10 : i32
      %dma_wait3A_309 = arith.constant 0 : i32
      %dma_wait3A_310 = tpu.memref_slice %arg7[%dma_wait3A_308, %dma_wait3A_309] : memref<16x128xi32, #tpu.memory_space<vmem>> -> memref<1x128xi32, #tpu.memory_space<vmem>>
      %dma_wait3A_311 = tpu.memref_squeeze %dma_wait3A_310 : memref<1x128xi32, #tpu.memory_space<vmem>> -> memref<128xi32, #tpu.memory_space<vmem>>
      %dma_wait3A_312 = arith.constant 0 : i32
      %dma_wait3A_313 = arith.constant 0 : i32
      %dma_wait3A_314 = tpu.memref_slice %arg2[%dma_wait3A_312, %dma_wait3A_313] : memref<10000x128xf32, #tpu.memory_space<hbm>> -> memref<10000x128xf32, #tpu.memory_space<hbm>>
      tpu.wait_indirect_dma semaphore(%arg13 : memref<!tpu.dma_semaphore, #tpu.memory_space<semaphore_mem>>) src(%dma_wait3A_314 : memref<10000x128xf32, #tpu.memory_space<hbm>>) dst(%arg10 : memref<128x128xf32, #tpu.memory_space<vmem>>)
      %dma_wait3A_315 = arith.constant 0 : i32
      %dma_wait3A_316 = tpu.memref_slice %arg4[%add3A_294, %dma_wait3A_315] : memref<2560x128xi32, #tpu.memory_space<hbm>> -> memref<1x128xi32, #tpu.memory_space<hbm>>
      %dma_wait3A_317 = tpu.memref_squeeze %dma_wait3A_316 : memref<1x128xi32, #tpu.memory_space<hbm>> -> memref<128xi32, #tpu.memory_space<hbm>>
      %dma_wait3A_318 = arith.constant 0 : i32
      %dma_wait3A_319 = tpu.memref_slice %arg4[%add3A_294, %dma_wait3A_318] : memref<2560x128xi32, #tpu.memory_space<hbm>> -> memref<1x128xi32, #tpu.memory_space<hbm>>
      %dma_wait3A_320 = tpu.memref_squeeze %dma_wait3A_319 : memref<1x128xi32, #tpu.memory_space<hbm>> -> memref<128xi32, #tpu.memory_space<hbm>>
      tpu.wait_dma2 semaphore(%arg17 : memref<!tpu.dma_semaphore, #tpu.memory_space<semaphore_mem>>) src(%dma_wait3A_320 : memref<128xi32, #tpu.memory_space<hbm>>) dst(%arg8 : memref<128xi32, #tpu.memory_space<vmem>>)
      %add3A_321 = arith.constant 11 : i32
      %add3A_322 = arith.addi %multiple_of3A, %add3A_321 : i32
      %dma_start3A_323 = arith.constant 0 : i32
      %dma_start3A_324 = tpu.memref_slice %arg4[%add3A_322, %dma_start3A_323] : memref<2560x128xi32, #tpu.memory_space<hbm>> -> memref<1x128xi32, #tpu.memory_space<hbm>>
      %dma_start3A_325 = tpu.memref_squeeze %dma_start3A_324 : memref<1x128xi32, #tpu.memory_space<hbm>> -> memref<128xi32, #tpu.memory_space<hbm>>
      %dma_start3A_326 = arith.constant 0 : i32
      %dma_start3A_327 = tpu.memref_slice %arg4[%add3A_322, %dma_start3A_326] : memref<2560x128xi32, #tpu.memory_space<hbm>> -> memref<1x128xi32, #tpu.memory_space<hbm>>
      %dma_start3A_328 = tpu.memref_squeeze %dma_start3A_327 : memref<1x128xi32, #tpu.memory_space<hbm>> -> memref<128xi32, #tpu.memory_space<hbm>>
      tpu.enqueue_dma source(%dma_start3A_328 : memref<128xi32, #tpu.memory_space<hbm>>) target(%arg9 : memref<128xi32, #tpu.memory_space<vmem>>) target_semaphore(%arg18 : memref<!tpu.dma_semaphore, #tpu.memory_space<semaphore_mem>>)
      %dma_start3A_329 = arith.constant 11 : i32
      %dma_start3A_330 = arith.constant 0 : i32
      %dma_start3A_331 = tpu.memref_slice %arg7[%dma_start3A_329, %dma_start3A_330] : memref<16x128xi32, #tpu.memory_space<vmem>> -> memref<1x128xi32, #tpu.memory_space<vmem>>
      %dma_start3A_332 = tpu.memref_squeeze %dma_start3A_331 : memref<1x128xi32, #tpu.memory_space<vmem>> -> memref<128xi32, #tpu.memory_space<vmem>>
      %dma_start3A_333 = arith.constant 0 : i32
      %dma_start3A_334 = arith.constant 0 : i32
      %dma_start3A_335 = tpu.memref_slice %arg2[%dma_start3A_333, %dma_start3A_334] : memref<10000x128xf32, #tpu.memory_space<hbm>> -> memref<10000x128xf32, #tpu.memory_space<hbm>>
      tpu.enqueue_indirect_dma source(%dma_start3A_335 : memref<10000x128xf32, #tpu.memory_space<hbm>>) target(%arg11 : memref<128x128xf32, #tpu.memory_space<vmem>>) offsets(%dma_start3A_332 : memref<128xi32, #tpu.memory_space<vmem>>) semaphore(%arg14 : memref<!tpu.dma_semaphore, #tpu.memory_space<semaphore_mem>>)
      %dma_wait3A_336 = arith.constant 11 : i32
      %dma_wait3A_337 = arith.constant 0 : i32
      %dma_wait3A_338 = tpu.memref_slice %arg7[%dma_wait3A_336, %dma_wait3A_337] : memref<16x128xi32, #tpu.memory_space<vmem>> -> memref<1x128xi32, #tpu.memory_space<vmem>>
      %dma_wait3A_339 = tpu.memref_squeeze %dma_wait3A_338 : memref<1x128xi32, #tpu.memory_space<vmem>> -> memref<128xi32, #tpu.memory_space<vmem>>
      %dma_wait3A_340 = arith.constant 0 : i32
      %dma_wait3A_341 = arith.constant 0 : i32
      %dma_wait3A_342 = tpu.memref_slice %arg2[%dma_wait3A_340, %dma_wait3A_341] : memref<10000x128xf32, #tpu.memory_space<hbm>> -> memref<10000x128xf32, #tpu.memory_space<hbm>>
      tpu.wait_indirect_dma semaphore(%arg14 : memref<!tpu.dma_semaphore, #tpu.memory_space<semaphore_mem>>) src(%dma_wait3A_342 : memref<10000x128xf32, #tpu.memory_space<hbm>>) dst(%arg11 : memref<128x128xf32, #tpu.memory_space<vmem>>)
      %dma_wait3A_343 = arith.constant 0 : i32
      %dma_wait3A_344 = tpu.memref_slice %arg4[%add3A_322, %dma_wait3A_343] : memref<2560x128xi32, #tpu.memory_space<hbm>> -> memref<1x128xi32, #tpu.memory_space<hbm>>
      %dma_wait3A_345 = tpu.memref_squeeze %dma_wait3A_344 : memref<1x128xi32, #tpu.memory_space<hbm>> -> memref<128xi32, #tpu.memory_space<hbm>>
      %dma_wait3A_346 = arith.constant 0 : i32
      %dma_wait3A_347 = tpu.memref_slice %arg4[%add3A_322, %dma_wait3A_346] : memref<2560x128xi32, #tpu.memory_space<hbm>> -> memref<1x128xi32, #tpu.memory_space<hbm>>
      %dma_wait3A_348 = tpu.memref_squeeze %dma_wait3A_347 : memref<1x128xi32, #tpu.memory_space<hbm>> -> memref<128xi32, #tpu.memory_space<hbm>>
      tpu.wait_dma2 semaphore(%arg18 : memref<!tpu.dma_semaphore, #tpu.memory_space<semaphore_mem>>) src(%dma_wait3A_348 : memref<128xi32, #tpu.memory_space<hbm>>) dst(%arg9 : memref<128xi32, #tpu.memory_space<vmem>>)
      %add3A_349 = arith.constant 12 : i32
      %add3A_350 = arith.addi %multiple_of3A, %add3A_349 : i32
      %dma_start3A_351 = arith.constant 0 : i32
      %dma_start3A_352 = tpu.memref_slice %arg4[%add3A_350, %dma_start3A_351] : memref<2560x128xi32, #tpu.memory_space<hbm>> -> memref<1x128xi32, #tpu.memory_space<hbm>>
      %dma_start3A_353 = tpu.memref_squeeze %dma_start3A_352 : memref<1x128xi32, #tpu.memory_space<hbm>> -> memref<128xi32, #tpu.memory_space<hbm>>
      %dma_start3A_354 = arith.constant 0 : i32
      %dma_start3A_355 = tpu.memref_slice %arg4[%add3A_350, %dma_start3A_354] : memref<2560x128xi32, #tpu.memory_space<hbm>> -> memref<1x128xi32, #tpu.memory_space<hbm>>
      %dma_start3A_356 = tpu.memref_squeeze %dma_start3A_355 : memref<1x128xi32, #tpu.memory_space<hbm>> -> memref<128xi32, #tpu.memory_space<hbm>>
      tpu.enqueue_dma source(%dma_start3A_356 : memref<128xi32, #tpu.memory_space<hbm>>) target(%arg8 : memref<128xi32, #tpu.memory_space<vmem>>) target_semaphore(%arg17 : memref<!tpu.dma_semaphore, #tpu.memory_space<semaphore_mem>>)
      %dma_start3A_357 = arith.constant 12 : i32
      %dma_start3A_358 = arith.constant 0 : i32
      %dma_start3A_359 = tpu.memref_slice %arg7[%dma_start3A_357, %dma_start3A_358] : memref<16x128xi32, #tpu.memory_space<vmem>> -> memref<1x128xi32, #tpu.memory_space<vmem>>
      %dma_start3A_360 = tpu.memref_squeeze %dma_start3A_359 : memref<1x128xi32, #tpu.memory_space<vmem>> -> memref<128xi32, #tpu.memory_space<vmem>>
      %dma_start3A_361 = arith.constant 0 : i32
      %dma_start3A_362 = arith.constant 0 : i32
      %dma_start3A_363 = tpu.memref_slice %arg2[%dma_start3A_361, %dma_start3A_362] : memref<10000x128xf32, #tpu.memory_space<hbm>> -> memref<10000x128xf32, #tpu.memory_space<hbm>>
      tpu.enqueue_indirect_dma source(%dma_start3A_363 : memref<10000x128xf32, #tpu.memory_space<hbm>>) target(%arg10 : memref<128x128xf32, #tpu.memory_space<vmem>>) offsets(%dma_start3A_360 : memref<128xi32, #tpu.memory_space<vmem>>) semaphore(%arg13 : memref<!tpu.dma_semaphore, #tpu.memory_space<semaphore_mem>>)
      %dma_wait3A_364 = arith.constant 12 : i32
      %dma_wait3A_365 = arith.constant 0 : i32
      %dma_wait3A_366 = tpu.memref_slice %arg7[%dma_wait3A_364, %dma_wait3A_365] : memref<16x128xi32, #tpu.memory_space<vmem>> -> memref<1x128xi32, #tpu.memory_space<vmem>>
      %dma_wait3A_367 = tpu.memref_squeeze %dma_wait3A_366 : memref<1x128xi32, #tpu.memory_space<vmem>> -> memref<128xi32, #tpu.memory_space<vmem>>
      %dma_wait3A_368 = arith.constant 0 : i32
      %dma_wait3A_369 = arith.constant 0 : i32
      %dma_wait3A_370 = tpu.memref_slice %arg2[%dma_wait3A_368, %dma_wait3A_369] : memref<10000x128xf32, #tpu.memory_space<hbm>> -> memref<10000x128xf32, #tpu.memory_space<hbm>>
      tpu.wait_indirect_dma semaphore(%arg13 : memref<!tpu.dma_semaphore, #tpu.memory_space<semaphore_mem>>) src(%dma_wait3A_370 : memref<10000x128xf32, #tpu.memory_space<hbm>>) dst(%arg10 : memref<128x128xf32, #tpu.memory_space<vmem>>)
      %dma_wait3A_371 = arith.constant 0 : i32
      %dma_wait3A_372 = tpu.memref_slice %arg4[%add3A_350, %dma_wait3A_371] : memref<2560x128xi32, #tpu.memory_space<hbm>> -> memref<1x128xi32, #tpu.memory_space<hbm>>
      %dma_wait3A_373 = tpu.memref_squeeze %dma_wait3A_372 : memref<1x128xi32, #tpu.memory_space<hbm>> -> memref<128xi32, #tpu.memory_space<hbm>>
      %dma_wait3A_374 = arith.constant 0 : i32
      %dma_wait3A_375 = tpu.memref_slice %arg4[%add3A_350, %dma_wait3A_374] : memref<2560x128xi32, #tpu.memory_space<hbm>> -> memref<1x128xi32, #tpu.memory_space<hbm>>
      %dma_wait3A_376 = tpu.memref_squeeze %dma_wait3A_375 : memref<1x128xi32, #tpu.memory_space<hbm>> -> memref<128xi32, #tpu.memory_space<hbm>>
      tpu.wait_dma2 semaphore(%arg17 : memref<!tpu.dma_semaphore, #tpu.memory_space<semaphore_mem>>) src(%dma_wait3A_376 : memref<128xi32, #tpu.memory_space<hbm>>) dst(%arg8 : memref<128xi32, #tpu.memory_space<vmem>>)
      %add3A_377 = arith.constant 13 : i32
      %add3A_378 = arith.addi %multiple_of3A, %add3A_377 : i32
      %dma_start3A_379 = arith.constant 0 : i32
      %dma_start3A_380 = tpu.memref_slice %arg4[%add3A_378, %dma_start3A_379] : memref<2560x128xi32, #tpu.memory_space<hbm>> -> memref<1x128xi32, #tpu.memory_space<hbm>>
      %dma_start3A_381 = tpu.memref_squeeze %dma_start3A_380 : memref<1x128xi32, #tpu.memory_space<hbm>> -> memref<128xi32, #tpu.memory_space<hbm>>
      %dma_start3A_382 = arith.constant 0 : i32
      %dma_start3A_383 = tpu.memref_slice %arg4[%add3A_378, %dma_start3A_382] : memref<2560x128xi32, #tpu.memory_space<hbm>> -> memref<1x128xi32, #tpu.memory_space<hbm>>
      %dma_start3A_384 = tpu.memref_squeeze %dma_start3A_383 : memref<1x128xi32, #tpu.memory_space<hbm>> -> memref<128xi32, #tpu.memory_space<hbm>>
      tpu.enqueue_dma source(%dma_start3A_384 : memref<128xi32, #tpu.memory_space<hbm>>) target(%arg9 : memref<128xi32, #tpu.memory_space<vmem>>) target_semaphore(%arg18 : memref<!tpu.dma_semaphore, #tpu.memory_space<semaphore_mem>>)
      %dma_start3A_385 = arith.constant 13 : i32
      %dma_start3A_386 = arith.constant 0 : i32
      %dma_start3A_387 = tpu.memref_slice %arg7[%dma_start3A_385, %dma_start3A_386] : memref<16x128xi32, #tpu.memory_space<vmem>> -> memref<1x128xi32, #tpu.memory_space<vmem>>
      %dma_start3A_388 = tpu.memref_squeeze %dma_start3A_387 : memref<1x128xi32, #tpu.memory_space<vmem>> -> memref<128xi32, #tpu.memory_space<vmem>>
      %dma_start3A_389 = arith.constant 0 : i32
      %dma_start3A_390 = arith.constant 0 : i32
      %dma_start3A_391 = tpu.memref_slice %arg2[%dma_start3A_389, %dma_start3A_390] : memref<10000x128xf32, #tpu.memory_space<hbm>> -> memref<10000x128xf32, #tpu.memory_space<hbm>>
      tpu.enqueue_indirect_dma source(%dma_start3A_391 : memref<10000x128xf32, #tpu.memory_space<hbm>>) target(%arg11 : memref<128x128xf32, #tpu.memory_space<vmem>>) offsets(%dma_start3A_388 : memref<128xi32, #tpu.memory_space<vmem>>) semaphore(%arg14 : memref<!tpu.dma_semaphore, #tpu.memory_space<semaphore_mem>>)
      %dma_wait3A_392 = arith.constant 13 : i32
      %dma_wait3A_393 = arith.constant 0 : i32
      %dma_wait3A_394 = tpu.memref_slice %arg7[%dma_wait3A_392, %dma_wait3A_393] : memref<16x128xi32, #tpu.memory_space<vmem>> -> memref<1x128xi32, #tpu.memory_space<vmem>>
      %dma_wait3A_395 = tpu.memref_squeeze %dma_wait3A_394 : memref<1x128xi32, #tpu.memory_space<vmem>> -> memref<128xi32, #tpu.memory_space<vmem>>
      %dma_wait3A_396 = arith.constant 0 : i32
      %dma_wait3A_397 = arith.constant 0 : i32
      %dma_wait3A_398 = tpu.memref_slice %arg2[%dma_wait3A_396, %dma_wait3A_397] : memref<10000x128xf32, #tpu.memory_space<hbm>> -> memref<10000x128xf32, #tpu.memory_space<hbm>>
      tpu.wait_indirect_dma semaphore(%arg14 : memref<!tpu.dma_semaphore, #tpu.memory_space<semaphore_mem>>) src(%dma_wait3A_398 : memref<10000x128xf32, #tpu.memory_space<hbm>>) dst(%arg11 : memref<128x128xf32, #tpu.memory_space<vmem>>)
      %dma_wait3A_399 = arith.constant 0 : i32
      %dma_wait3A_400 = tpu.memref_slice %arg4[%add3A_378, %dma_wait3A_399] : memref<2560x128xi32, #tpu.memory_space<hbm>> -> memref<1x128xi32, #tpu.memory_space<hbm>>
      %dma_wait3A_401 = tpu.memref_squeeze %dma_wait3A_400 : memref<1x128xi32, #tpu.memory_space<hbm>> -> memref<128xi32, #tpu.memory_space<hbm>>
      %dma_wait3A_402 = arith.constant 0 : i32
      %dma_wait3A_403 = tpu.memref_slice %arg4[%add3A_378, %dma_wait3A_402] : memref<2560x128xi32, #tpu.memory_space<hbm>> -> memref<1x128xi32, #tpu.memory_space<hbm>>
      %dma_wait3A_404 = tpu.memref_squeeze %dma_wait3A_403 : memref<1x128xi32, #tpu.memory_space<hbm>> -> memref<128xi32, #tpu.memory_space<hbm>>
      tpu.wait_dma2 semaphore(%arg18 : memref<!tpu.dma_semaphore, #tpu.memory_space<semaphore_mem>>) src(%dma_wait3A_404 : memref<128xi32, #tpu.memory_space<hbm>>) dst(%arg9 : memref<128xi32, #tpu.memory_space<vmem>>)
      %add3A_405 = arith.constant 14 : i32
      %add3A_406 = arith.addi %multiple_of3A, %add3A_405 : i32
      %dma_start3A_407 = arith.constant 0 : i32
      %dma_start3A_408 = tpu.memref_slice %arg4[%add3A_406, %dma_start3A_407] : memref<2560x128xi32, #tpu.memory_space<hbm>> -> memref<1x128xi32, #tpu.memory_space<hbm>>
      %dma_start3A_409 = tpu.memref_squeeze %dma_start3A_408 : memref<1x128xi32, #tpu.memory_space<hbm>> -> memref<128xi32, #tpu.memory_space<hbm>>
      %dma_start3A_410 = arith.constant 0 : i32
      %dma_start3A_411 = tpu.memref_slice %arg4[%add3A_406, %dma_start3A_410] : memref<2560x128xi32, #tpu.memory_space<hbm>> -> memref<1x128xi32, #tpu.memory_space<hbm>>
      %dma_start3A_412 = tpu.memref_squeeze %dma_start3A_411 : memref<1x128xi32, #tpu.memory_space<hbm>> -> memref<128xi32, #tpu.memory_space<hbm>>
      tpu.enqueue_dma source(%dma_start3A_412 : memref<128xi32, #tpu.memory_space<hbm>>) target(%arg8 : memref<128xi32, #tpu.memory_space<vmem>>) target_semaphore(%arg17 : memref<!tpu.dma_semaphore, #tpu.memory_space<semaphore_mem>>)
      %dma_start3A_413 = arith.constant 14 : i32
      %dma_start3A_414 = arith.constant 0 : i32
      %dma_start3A_415 = tpu.memref_slice %arg7[%dma_start3A_413, %dma_start3A_414] : memref<16x128xi32, #tpu.memory_space<vmem>> -> memref<1x128xi32, #tpu.memory_space<vmem>>
      %dma_start3A_416 = tpu.memref_squeeze %dma_start3A_415 : memref<1x128xi32, #tpu.memory_space<vmem>> -> memref<128xi32, #tpu.memory_space<vmem>>
      %dma_start3A_417 = arith.constant 0 : i32
      %dma_start3A_418 = arith.constant 0 : i32
      %dma_start3A_419 = tpu.memref_slice %arg2[%dma_start3A_417, %dma_start3A_418] : memref<10000x128xf32, #tpu.memory_space<hbm>> -> memref<10000x128xf32, #tpu.memory_space<hbm>>
      tpu.enqueue_indirect_dma source(%dma_start3A_419 : memref<10000x128xf32, #tpu.memory_space<hbm>>) target(%arg10 : memref<128x128xf32, #tpu.memory_space<vmem>>) offsets(%dma_start3A_416 : memref<128xi32, #tpu.memory_space<vmem>>) semaphore(%arg13 : memref<!tpu.dma_semaphore, #tpu.memory_space<semaphore_mem>>)
      %dma_wait3A_420 = arith.constant 14 : i32
      %dma_wait3A_421 = arith.constant 0 : i32
      %dma_wait3A_422 = tpu.memref_slice %arg7[%dma_wait3A_420, %dma_wait3A_421] : memref<16x128xi32, #tpu.memory_space<vmem>> -> memref<1x128xi32, #tpu.memory_space<vmem>>
      %dma_wait3A_423 = tpu.memref_squeeze %dma_wait3A_422 : memref<1x128xi32, #tpu.memory_space<vmem>> -> memref<128xi32, #tpu.memory_space<vmem>>
      %dma_wait3A_424 = arith.constant 0 : i32
      %dma_wait3A_425 = arith.constant 0 : i32
      %dma_wait3A_426 = tpu.memref_slice %arg2[%dma_wait3A_424, %dma_wait3A_425] : memref<10000x128xf32, #tpu.memory_space<hbm>> -> memref<10000x128xf32, #tpu.memory_space<hbm>>
      tpu.wait_indirect_dma semaphore(%arg13 : memref<!tpu.dma_semaphore, #tpu.memory_space<semaphore_mem>>) src(%dma_wait3A_426 : memref<10000x128xf32, #tpu.memory_space<hbm>>) dst(%arg10 : memref<128x128xf32, #tpu.memory_space<vmem>>)
      %dma_wait3A_427 = arith.constant 0 : i32
      %dma_wait3A_428 = tpu.memref_slice %arg4[%add3A_406, %dma_wait3A_427] : memref<2560x128xi32, #tpu.memory_space<hbm>> -> memref<1x128xi32, #tpu.memory_space<hbm>>
      %dma_wait3A_429 = tpu.memref_squeeze %dma_wait3A_428 : memref<1x128xi32, #tpu.memory_space<hbm>> -> memref<128xi32, #tpu.memory_space<hbm>>
      %dma_wait3A_430 = arith.constant 0 : i32
      %dma_wait3A_431 = tpu.memref_slice %arg4[%add3A_406, %dma_wait3A_430] : memref<2560x128xi32, #tpu.memory_space<hbm>> -> memref<1x128xi32, #tpu.memory_space<hbm>>
      %dma_wait3A_432 = tpu.memref_squeeze %dma_wait3A_431 : memref<1x128xi32, #tpu.memory_space<hbm>> -> memref<128xi32, #tpu.memory_space<hbm>>
      tpu.wait_dma2 semaphore(%arg17 : memref<!tpu.dma_semaphore, #tpu.memory_space<semaphore_mem>>) src(%dma_wait3A_432 : memref<128xi32, #tpu.memory_space<hbm>>) dst(%arg8 : memref<128xi32, #tpu.memory_space<vmem>>)
      %add3A_433 = arith.constant 15 : i32
      %add3A_434 = arith.addi %multiple_of3A, %add3A_433 : i32
      %dma_start3A_435 = arith.constant 0 : i32
      %dma_start3A_436 = tpu.memref_slice %arg4[%add3A_434, %dma_start3A_435] : memref<2560x128xi32, #tpu.memory_space<hbm>> -> memref<1x128xi32, #tpu.memory_space<hbm>>
      %dma_start3A_437 = tpu.memref_squeeze %dma_start3A_436 : memref<1x128xi32, #tpu.memory_space<hbm>> -> memref<128xi32, #tpu.memory_space<hbm>>
      %dma_start3A_438 = arith.constant 0 : i32
      %dma_start3A_439 = tpu.memref_slice %arg4[%add3A_434, %dma_start3A_438] : memref<2560x128xi32, #tpu.memory_space<hbm>> -> memref<1x128xi32, #tpu.memory_space<hbm>>
      %dma_start3A_440 = tpu.memref_squeeze %dma_start3A_439 : memref<1x128xi32, #tpu.memory_space<hbm>> -> memref<128xi32, #tpu.memory_space<hbm>>
      tpu.enqueue_dma source(%dma_start3A_440 : memref<128xi32, #tpu.memory_space<hbm>>) target(%arg9 : memref<128xi32, #tpu.memory_space<vmem>>) target_semaphore(%arg18 : memref<!tpu.dma_semaphore, #tpu.memory_space<semaphore_mem>>)
      %dma_start3A_441 = arith.constant 15 : i32
      %dma_start3A_442 = arith.constant 0 : i32
      %dma_start3A_443 = tpu.memref_slice %arg7[%dma_start3A_441, %dma_start3A_442] : memref<16x128xi32, #tpu.memory_space<vmem>> -> memref<1x128xi32, #tpu.memory_space<vmem>>
      %dma_start3A_444 = tpu.memref_squeeze %dma_start3A_443 : memref<1x128xi32, #tpu.memory_space<vmem>> -> memref<128xi32, #tpu.memory_space<vmem>>
      %dma_start3A_445 = arith.constant 0 : i32
      %dma_start3A_446 = arith.constant 0 : i32
      %dma_start3A_447 = tpu.memref_slice %arg2[%dma_start3A_445, %dma_start3A_446] : memref<10000x128xf32, #tpu.memory_space<hbm>> -> memref<10000x128xf32, #tpu.memory_space<hbm>>
      tpu.enqueue_indirect_dma source(%dma_start3A_447 : memref<10000x128xf32, #tpu.memory_space<hbm>>) target(%arg11 : memref<128x128xf32, #tpu.memory_space<vmem>>) offsets(%dma_start3A_444 : memref<128xi32, #tpu.memory_space<vmem>>) semaphore(%arg14 : memref<!tpu.dma_semaphore, #tpu.memory_space<semaphore_mem>>)
      %dma_wait3A_448 = arith.constant 15 : i32
      %dma_wait3A_449 = arith.constant 0 : i32
      %dma_wait3A_450 = tpu.memref_slice %arg7[%dma_wait3A_448, %dma_wait3A_449] : memref<16x128xi32, #tpu.memory_space<vmem>> -> memref<1x128xi32, #tpu.memory_space<vmem>>
      %dma_wait3A_451 = tpu.memref_squeeze %dma_wait3A_450 : memref<1x128xi32, #tpu.memory_space<vmem>> -> memref<128xi32, #tpu.memory_space<vmem>>
      %dma_wait3A_452 = arith.constant 0 : i32
      %dma_wait3A_453 = arith.constant 0 : i32
      %dma_wait3A_454 = tpu.memref_slice %arg2[%dma_wait3A_452, %dma_wait3A_453] : memref<10000x128xf32, #tpu.memory_space<hbm>> -> memref<10000x128xf32, #tpu.memory_space<hbm>>
      tpu.wait_indirect_dma semaphore(%arg14 : memref<!tpu.dma_semaphore, #tpu.memory_space<semaphore_mem>>) src(%dma_wait3A_454 : memref<10000x128xf32, #tpu.memory_space<hbm>>) dst(%arg11 : memref<128x128xf32, #tpu.memory_space<vmem>>)
      %dma_wait3A_455 = arith.constant 0 : i32
      %dma_wait3A_456 = tpu.memref_slice %arg4[%add3A_434, %dma_wait3A_455] : memref<2560x128xi32, #tpu.memory_space<hbm>> -> memref<1x128xi32, #tpu.memory_space<hbm>>
      %dma_wait3A_457 = tpu.memref_squeeze %dma_wait3A_456 : memref<1x128xi32, #tpu.memory_space<hbm>> -> memref<128xi32, #tpu.memory_space<hbm>>
      %dma_wait3A_458 = arith.constant 0 : i32
      %dma_wait3A_459 = tpu.memref_slice %arg4[%add3A_434, %dma_wait3A_458] : memref<2560x128xi32, #tpu.memory_space<hbm>> -> memref<1x128xi32, #tpu.memory_space<hbm>>
      %dma_wait3A_460 = tpu.memref_squeeze %dma_wait3A_459 : memref<1x128xi32, #tpu.memory_space<hbm>> -> memref<128xi32, #tpu.memory_space<hbm>>
      tpu.wait_dma2 semaphore(%arg18 : memref<!tpu.dma_semaphore, #tpu.memory_space<semaphore_mem>>) src(%dma_wait3A_460 : memref<128xi32, #tpu.memory_space<hbm>>) dst(%arg9 : memref<128xi32, #tpu.memory_space<vmem>>)
    }
    %scan3A_7 = arith.constant 5 : i32
    %barrier3A_8 = arith.constant 0 : index
    tpu.barrier barrier_id(%barrier3A_8)
    "tpu.region"() ({
      %run_scoped3A = tpu.sem_alloc : memref<!tpu.dma_semaphore, #tpu.memory_space<semaphore_mem>>
      %dma_start3A = arith.constant 0 : i32
      %dma_start3A_9 = tpu.memref_slice %arg6[%arg0, %mul3A_2, %dma_start3A] : memref<2x10112x128xf32, #tpu.memory_space<hbm>> -> memref<1x632x128xf32, #tpu.memory_space<hbm>>
      %dma_start3A_10 = tpu.memref_squeeze %dma_start3A_9 : memref<1x632x128xf32, #tpu.memory_space<hbm>> -> memref<632x128xf32, #tpu.memory_space<hbm>>
      %dma_start3A_11 = arith.constant 0 : i32
      %dma_start3A_12 = tpu.memref_slice %arg12[%mul3A_2, %dma_start3A_11] : memref<10112x128xf32, #tpu.memory_space<vmem_shared>> -> memref<632x128xf32, #tpu.memory_space<vmem_shared>>
      tpu.enqueue_dma source(%dma_start3A_12 : memref<632x128xf32, #tpu.memory_space<vmem_shared>>) target(%dma_start3A_10 : memref<632x128xf32, #tpu.memory_space<hbm>>) target_semaphore(%run_scoped3A : memref<!tpu.dma_semaphore, #tpu.memory_space<semaphore_mem>>)
      %dma_wait3A = arith.constant 0 : i32
      %dma_wait3A_13 = tpu.memref_slice %arg6[%arg0, %mul3A_2, %dma_wait3A] : memref<2x10112x128xf32, #tpu.memory_space<hbm>> -> memref<1x632x128xf32, #tpu.memory_space<hbm>>
      %dma_wait3A_14 = tpu.memref_squeeze %dma_wait3A_13 : memref<1x632x128xf32, #tpu.memory_space<hbm>> -> memref<632x128xf32, #tpu.memory_space<hbm>>
      %dma_wait3A_15 = arith.constant 0 : i32
      %dma_wait3A_16 = tpu.memref_slice %arg12[%mul3A_2, %dma_wait3A_15] : memref<10112x128xf32, #tpu.memory_space<vmem_shared>> -> memref<632x128xf32, #tpu.memory_space<vmem_shared>>
      tpu.wait_dma2 semaphore(%run_scoped3A : memref<!tpu.dma_semaphore, #tpu.memory_space<semaphore_mem>>) src(%dma_wait3A_16 : memref<632x128xf32, #tpu.memory_space<vmem_shared>>) dst(%dma_wait3A_14 : memref<632x128xf32, #tpu.memory_space<hbm>>)
      tpu.yield
    }) : () -> ()
    return
  }
}

module attributes {stable_mosaic.version = 14 : i64} {
  func.func @body(%arg0: i32, %arg1: memref<1000x128xf32, #tpu.memory_space<vmem>>, %arg2: memref<1000x128xf32, #tpu.memory_space<vmem>>, %arg3: memref<1000x128xf32, #tpu.memory_space<vmem>>, %arg4: memref<1x128xf32, #tpu.memory_space<vmem>>, %arg5: memref<128x128xf32, #tpu.memory_space<vmem>>, %arg6: memref<1x128xf32, #tpu.memory_space<vmem>>, %arg7: memref<128x128xf32, #tpu.memory_space<vmem>>, %arg8: memref<1x128xf32, #tpu.memory_space<vmem>>, %arg9: memref<1000x128xf32, #tpu.memory_space<vmem>>) attributes {dimension_semantics = [#tpu.dimension_semantics<arbitrary>], iteration_bounds = array<i64: 10>, scalar_prefetch = 0 : i64, scratch_operands = 0 : i64, tpu.core_type = #tpu.core_type<tc>, window_params = [{transform_indices = @transform_0, window_bounds = array<i64: 1000, 128>}, {transform_indices = @transform_1, window_bounds = array<i64: 1000, 128>}, {transform_indices = @transform_2, window_bounds = array<i64: 1000, 128>}, {pipeline_mode = #tpu.pipeline_mode<synchronous>, transform_indices = @transform_3, window_bounds = array<i64: 1, 128>}, {pipeline_mode = #tpu.pipeline_mode<synchronous>, transform_indices = @transform_4, window_bounds = array<i64: 128, 128>}, {pipeline_mode = #tpu.pipeline_mode<synchronous>, transform_indices = @transform_5, window_bounds = array<i64: 1, 128>}, {pipeline_mode = #tpu.pipeline_mode<synchronous>, transform_indices = @transform_6, window_bounds = array<i64: 128, 128>}, {pipeline_mode = #tpu.pipeline_mode<synchronous>, transform_indices = @transform_7, window_bounds = array<i64: 1, 128>}, {transform_indices = @transform_8, window_bounds = array<i64: 1000, 128>}]} {
    %get3A = arith.constant 0 : index
    %get3A_0 = arith.constant 0 : index
    %get3A_1 = vector.load %arg1[%get3A, %get3A_0] : memref<1000x128xf32, #tpu.memory_space<vmem>>, vector<1000x128xf32>
    %get3A_2 = arith.constant 0 : index
    %get3A_3 = arith.constant 0 : index
    %get3A_4 = vector.load %arg2[%get3A_2, %get3A_3] : memref<1000x128xf32, #tpu.memory_space<vmem>>, vector<1000x128xf32>
    %add3A = arith.addf %get3A_1, %get3A_4 : vector<1000x128xf32>
    %get3A_5 = arith.constant 0 : index
    %get3A_6 = arith.constant 0 : index
    %get3A_7 = vector.load %arg3[%get3A_5, %get3A_6] : memref<1000x128xf32, #tpu.memory_space<vmem>>, vector<1000x128xf32>
    %add3A_8 = arith.addf %add3A, %get3A_7 : vector<1000x128xf32>
    %get3A_9 = arith.constant 0 : index
    %get3A_10 = arith.constant 0 : index
    %get3A_11 = vector.load %arg4[%get3A_9, %get3A_10] : memref<1x128xf32, #tpu.memory_space<vmem>>, vector<1x128xf32>
    %mul3A = vector.broadcast %get3A_11 : vector<1x128xf32> to vector<1000x128xf32>
    %mul3A_12 = arith.mulf %add3A_8, %mul3A : vector<1000x128xf32>
    %get3A_13 = arith.constant 0 : index
    %get3A_14 = arith.constant 0 : index
    %get3A_15 = vector.load %arg5[%get3A_13, %get3A_14] : memref<128x128xf32, #tpu.memory_space<vmem>>, vector<128x128xf32>
    %dot_general3A = arith.constant dense<0.000000e+00> : vector<1000x128xf32>
    %dot_general3A_16 = tpu.matmul %mul3A_12, %get3A_15, %dot_general3A {dimension_numbers = #tpu.dot_dimension_numbers<[1], [0], [0], [1], [0, 0, 1, 1], [], []>, transpose_lhs_hint = false} : vector<1000x128xf32>, vector<128x128xf32>, vector<1000x128xf32> -> vector<1000x128xf32>
    %get3A_17 = arith.constant 0 : index
    %get3A_18 = arith.constant 0 : index
    %get3A_19 = vector.load %arg6[%get3A_17, %get3A_18] : memref<1x128xf32, #tpu.memory_space<vmem>>, vector<1x128xf32>
    %add3A_20 = vector.broadcast %get3A_19 : vector<1x128xf32> to vector<1000x128xf32>
    %add3A_21 = arith.addf %dot_general3A_16, %add3A_20 : vector<1000x128xf32>
    %max3A = arith.constant 0.000000e+00 : f32
    %max3A_22 = vector.broadcast %max3A : f32 to vector<1000x128xf32>
    %max3A_23 = arith.maximumf %add3A_21, %max3A_22 : vector<1000x128xf32>
    %get3A_24 = arith.constant 0 : index
    %get3A_25 = arith.constant 0 : index
    %get3A_26 = vector.load %arg7[%get3A_24, %get3A_25] : memref<128x128xf32, #tpu.memory_space<vmem>>, vector<128x128xf32>
    %dot_general3A_27 = arith.constant dense<0.000000e+00> : vector<1000x128xf32>
    %dot_general3A_28 = tpu.matmul %max3A_23, %get3A_26, %dot_general3A_27 {dimension_numbers = #tpu.dot_dimension_numbers<[1], [0], [0], [1], [0, 0, 1, 1], [], []>, transpose_lhs_hint = false} : vector<1000x128xf32>, vector<128x128xf32>, vector<1000x128xf32> -> vector<1000x128xf32>
    %get3A_29 = arith.constant 0 : index
    %get3A_30 = arith.constant 0 : index
    %get3A_31 = vector.load %arg8[%get3A_29, %get3A_30] : memref<1x128xf32, #tpu.memory_space<vmem>>, vector<1x128xf32>
    %add3A_32 = vector.broadcast %get3A_31 : vector<1x128xf32> to vector<1000x128xf32>
    %add3A_33 = arith.addf %dot_general3A_28, %add3A_32 : vector<1000x128xf32>
    %swap3A = arith.constant 0 : index
    %swap3A_34 = arith.constant 0 : index
    %swap3A_35 = vector.load %arg9[%swap3A, %swap3A_34] : memref<1000x128xf32, #tpu.memory_space<vmem>>, vector<1000x128xf32>
    tpu.vector_store %arg9[%swap3A, %swap3A_34], %add3A_33 {strides = array<i32>} : memref<1000x128xf32, #tpu.memory_space<vmem>>, vector<1000x128xf32>,
    return
  }
  func.func @transform_0(%arg0: i32) -> (i32, i32) {
    %c0_i32 = arith.constant 0 : i32
    %c0_i32_0 = arith.constant 0 : i32
    return %arg0, %c0_i32 : i32, i32
  }
  func.func @transform_1(%arg0: i32) -> (i32, i32) {
    %c0_i32 = arith.constant 0 : i32
    %c0_i32_0 = arith.constant 0 : i32
    return %arg0, %c0_i32 : i32, i32
  }
  func.func @transform_2(%arg0: i32) -> (i32, i32) {
    %c0_i32 = arith.constant 0 : i32
    %c0_i32_0 = arith.constant 0 : i32
    return %arg0, %c0_i32 : i32, i32
  }
  func.func @transform_3(%arg0: i32) -> (i32, i32) {
    %c0_i32 = arith.constant 0 : i32
    %c0_i32_0 = arith.constant 0 : i32
    %c0_i32_1 = arith.constant 0 : i32
    return %c0_i32, %c0_i32_0 : i32, i32
  }
  func.func @transform_4(%arg0: i32) -> (i32, i32) {
    %c0_i32 = arith.constant 0 : i32
    %c0_i32_0 = arith.constant 0 : i32
    %c0_i32_1 = arith.constant 0 : i32
    return %c0_i32, %c0_i32_0 : i32, i32
  }
  func.func @transform_5(%arg0: i32) -> (i32, i32) {
    %c0_i32 = arith.constant 0 : i32
    %c0_i32_0 = arith.constant 0 : i32
    %c0_i32_1 = arith.constant 0 : i32
    return %c0_i32, %c0_i32_0 : i32, i32
  }
  func.func @transform_6(%arg0: i32) -> (i32, i32) {
    %c0_i32 = arith.constant 0 : i32
    %c0_i32_0 = arith.constant 0 : i32
    %c0_i32_1 = arith.constant 0 : i32
    return %c0_i32, %c0_i32_0 : i32, i32
  }
  func.func @transform_7(%arg0: i32) -> (i32, i32) {
    %c0_i32 = arith.constant 0 : i32
    %c0_i32_0 = arith.constant 0 : i32
    %c0_i32_1 = arith.constant 0 : i32
    return %c0_i32, %c0_i32_0 : i32, i32
  }
  func.func @transform_8(%arg0: i32) -> (i32, i32) {
    %c0_i32 = arith.constant 0 : i32
    %c0_i32_0 = arith.constant 0 : i32
    return %arg0, %c0_i32 : i32, i32
  }
}

</mosaic_0001>

<sc_bundles>
// kernel: kernel.4.cloned.1.call-start
scs
__scs_entry_jumppad:
0x0: {  	(pc) =	sbr.rel $0x88, $3  }
0x1: {  	(tag) =	ssettag $0x0;
	lr =	simm.s32 $0x1  }
0x2: {  	[smem:$0x3F9B] =	sst lr;
	_ =	strace $0xD0000000  }
0x3: {  	_ = 	snop  }
0x4: {  	_ = 	snop  }
0x5: {  	_ = 	snop  }
0x6: {  	_ = 	snop  }
0x7: {  	_ = 	snop  }
__scs_overlays_trampoline_lowered:
0x8: {  	[smem:$0x3FAA] =	sst s0  }
0x9: {  	[smem:$0x3FAB] =	sst s1  }
0xa: {  	[smem:$0x3FAC] =	sst s2  }
0xb: {  	[smem:$0x3FAD] =	sst s3  }
0xc: {  	[smem:$0x3FAE] =	sst s4  }
0xd: {  	[smem:$0x3FAF] =	sst s5  }
0xe: {  	[smem:$0x3FB0] =	sst s6  }
0xf: {  	[smem:$0x3FB1] =	sst s7  }
0x10: {  	[smem:$0x3FB2] =	sst s8  }
0x11: {  	[smem:$0x3FB3] =	sst s9;
	s0 =	simm.s32 @!p0 $0x0  }
0x12: {  	s1 =	sld [smem:$0x3F99];
	s0 =	simm.s32 @p0 $0x1  }
0x13: {  	[smem:$0x3FB4] =	sst s0;
	s0 =	simm.s32 @!p1 $0x0  }
0x14: {  	s2 =	sld [smem:$0x3F98];
	s0 =	simm.s32 @p1 $0x1  }
0x15: {  	[smem:$0x3FB5] =	sst s0;
	s0 =	simm.s32 @!p2 $0x0  }
0x16: {  	s3 =	sld [smem:$0x3FDB];
	s0 =	simm.s32 @p2 $0x1  }
0x17: {  	s4 =	simm.s32 $0x1BF5;
	[smem:$0x3FB7] =	sst s0  }
0x18: {  	s0 =	sld [smem:$0x3F9A];
	_ =	swait.ge [sflag:s4], $0x0  }
0x19: {  	s7 =	sld [smem:$0x3F9B]  }
0x1a: {  	s8 =	sadd.s32 $0xFFFFE003, lr  }
0x1b: {  	s9 =	sadd.s32 $0xFFFFFEF7, lr;
	s5 =	simm.s32 $0xFFFFFFFF;
	p2 =	slt.u32 s8, $0xFFFFF086  }
0x1c: {  	p1 =	slt.u32 s9, $0xF7A;
	s5 =	simm.s32 @!p2 $0x0  }
0x1d: {  	s5 =	simm.s32 @p1 $0x1;
	p0 =	seq.s32 s7, s2  }
0x1e: {  	s7 =	smul.u32 @!p0 $0xF7A, s2;
	p2 =	seq.s32 @!p0 s5, $0x0  }
0x1f: {  	s9 =	smul.u32 $0xF7A, s1;
	s8 =	simm.s32 @!p0 $0x1BF5;
	p2 =	por !p2, p0  }
0x20: {  	[sflag:s8] =	ssyncset.s32 @!p0 $0xFFFFF086;
	s6 =	sadd.s32 @!p0 s3, s7;
	s7 =	simm.s32 @!p0 $0x108  }
0x21: {  	s3 =	sadd.s32 s3, s9;
	s6 =	sadd.s32 @!p0 $0x88, s6;
	s7 =	simm.s32 @p2 $0x1082  }
0x22: {  	[simem:s7], [sflag:s8] =	dma.local @!p0 [hbm:s6], $0xF7A  }
0x23: {  	s9 =	sor.u32 $0xD0000000, s2;
	s6 =	simm.s32 $0x108;
	_ =	swait.ge @!p0 [sflag:s8], $0x0  }
0x24: {  	s3 =	sadd.s32 $0x88, s3;
	s6 =	simm.s32 @!p1 $0x1082;
	[sflag:s4] =	ssyncset.s32 $0xFFFFF086  }
0x25: {  	[simem:s6], [sflag:s4] =	dma.local [hbm:s3], $0xF7A  }
0x26: {  	[smem:$0x3F9B] =	sst s1;
	(tag) =	ssettag s2;
	_ =	strace s9  }
0x27: {  	s1 =	sld [smem:$0x3FAB]  }
0x28: {  	s2 =	sld [smem:$0x3FAC]  }
0x29: {  	s4 =	sld [smem:$0x3FAE]  }
0x2a: {  	p0 =	seq.s32 s5, $0x0;
	s5 =	sld [smem:$0x3FAF]  }
0x2b: {  	s6 =	sld [smem:$0x3FB0]  }
0x2c: {  	s7 =	sld [smem:$0x3FB1]  }
0x2d: {  	s3 =	simm.s32 $0x108;
	s8 =	sld [smem:$0x3FB2]  }
0x2e: {  	s3 =	simm.s32 @!p0 $0x1082;
	s9 =	sld [smem:$0x3FB3]  }
0x2f: {  	lr =	sadd.s32 s0, s3;
	s0 =	sld [smem:$0x3FAA]  }
0x30: {  	s3 =	sld [smem:$0x3FAD]  }
0x31: {  	[smem:$0x3FB6] =	sst s10  }
0x32: {  	s10 =	sld [smem:$0x3FB4];
	_ =	sdelay $0x3  }
0x33: {  	p0 =	seq.s32 s10, $0x1;
	s10 =	sld [smem:$0x3FB6];
	_ =	sdelay $0x3  }
0x34: {  	[smem:$0x3FB6] =	sst s10  }
0x35: {  	s10 =	sld [smem:$0x3FB5];
	_ =	sdelay $0x3  }
0x36: {  	p1 =	seq.s32 s10, $0x1;
	s10 =	sld [smem:$0x3FB6];
	_ =	sdelay $0x3  }
0x37: {  	[smem:$0x3FB6] =	sst s10  }
0x38: {  	s10 =	sld [smem:$0x3FB7]  }
0x39: {  	_ = 	snop;
	(pc) =	sbr.ind lr, $3  }
0x3a: {  	_ = 	snop  }
0x3b: {  	_ = 	snop  }
0x3c: {  	p2 =	seq.s32 s10, $0x1;
	s10 =	sld [smem:$0x3FB6]  }
0x3d: {  	_ =	shalt  }
0x3e: {  	_ =	shalt  }
0x3f: {  	_ =	shalt  }
0x40: {  	_ =	shalt  }
0x41: {  	_ =	shalt  }
0x42: {  	_ =	shalt  }
0x43: {  	_ =	shalt  }
0x44: {  	_ =	shalt  }
0x45: {  	_ =	shalt  }
0x46: {  	_ =	shalt  }
0x47: {  	_ =	shalt  }
0x48: {  	_ =	shalt  }
0x49: {  	_ =	shalt  }
0x4a: {  	_ =	shalt  }
0x4b: {  	_ =	shalt  }
0x4c: {  	_ =	shalt  }
0x4d: {  	_ =	shalt  }
0x4e: {  	_ =	shalt  }
0x4f: {  	_ =	shalt  }
0x50: {  	_ =	shalt  }
0x51: {  	_ =	shalt  }
0x52: {  	_ =	shalt  }
0x53: {  	_ =	shalt  }
0x54: {  	_ =	shalt  }
0x55: {  	_ =	shalt  }
0x56: {  	_ =	shalt  }
0x57: {  	_ =	shalt  }
0x58: {  	_ =	shalt  }
0x59: {  	_ =	shalt  }
0x5a: {  	_ =	shalt  }
0x5b: {  	_ =	shalt  }
0x5c: {  	_ =	shalt  }
0x5d: {  	_ =	shalt  }
0x5e: {  	_ =	shalt  }
0x5f: {  	_ =	shalt  }
0x60: {  	_ =	shalt  }
0x61: {  	_ =	shalt  }
0x62: {  	_ =	shalt  }
0x63: {  	_ =	shalt  }
0x64: {  	_ =	shalt  }
0x65: {  	_ =	shalt  }
0x66: {  	_ =	shalt  }
0x67: {  	_ =	shalt  }
0x68: {  	_ =	shalt  }
0x69: {  	_ =	shalt  }
0x6a: {  	_ =	shalt  }
0x6b: {  	_ =	shalt  }
0x6c: {  	_ =	shalt  }
0x6d: {  	_ =	shalt  }
0x6e: {  	_ =	shalt  }
0x6f: {  	_ =	shalt  }
0x70: {  	_ =	shalt  }
0x71: {  	_ =	shalt  }
0x72: {  	_ =	shalt  }
0x73: {  	_ =	shalt  }
0x74: {  	_ =	shalt  }
0x75: {  	_ =	shalt  }
0x76: {  	_ =	shalt  }
0x77: {  	_ =	shalt  }
0x78: {  	_ =	shalt  }
0x79: {  	_ =	shalt  }
0x7a: {  	_ =	shalt  }
0x7b: {  	_ =	shalt  }
0x7c: {  	_ =	shalt  }
0x7d: {  	_ =	shalt  }
0x7e: {  	_ =	shalt  }
0x7f: {  	_ =	shalt  }
0x80: {  	_ =	shalt  }
0x81: {  	_ =	shalt  }
0x82: {  	_ =	shalt  }
0x83: {  	_ =	shalt  }
0x84: {  	_ =	shalt  }
0x85: {  	_ =	shalt  }
0x86: {  	_ =	shalt  }
0x87: {  	_ =	shalt  }
.Lfunc_end0:
.L_simem_size_0:
called_computation_lowered:
.L_overlay_start_0:
0x88: {  	s2 =	sld [smem:$0x3FD9]  }
0x89: {  	s3 =	sld [smem:$0x3FFE];
	_ =	sdelay $0x1  }
0x8a: {  	s1 =	srdreg.scid  }
0x8b: {  	s0 =	sand.u32 $0x1, s1  }
0x8c: {  	s17 =	sshll.u32 s0, $0xA;
	s2 =	sadd.s32 s3, s2  }
0x8d: {  	s2 =	sadd.s32 s2, s17  }
0x8e: {  	[smem:$0x3FC2] =	sst s2  }
0x8f: {  	_ = 	snop  }
0x90: {  	s2 =	sld [smem:$0x3FC9]  }
0x91: {  	s18 =	sld [smem:$0x3FD0];
	(tm) =	ssettm $0x1  }
0x92: {  	s4 =	sld [smem:$0x3FFB];
	_ =	sdelay $0x3  }
0x93: {  	_ =	strace s4  }
0x94: {  	s4 =	sld [smem:$0x3FFC];
	_ =	sdelay $0x3  }
0x95: {  	_ =	strace s4  }
0x96: {  	s4 =	sld [smem:$0x3FFD];
	_ =	sdelay $0x3  }
0x97: {  	_ =	strace s4  }
0x98: {  	_ =	strace $0x8FFFFFFF  }
0x99: {  	s19 =	sld [smem:$0x3FDB];
	_ =	sdelay $0x1  }
0x9a: {  	s5 =	simm.s32 $_scs_section_size  }
0x9b: {  	s6 =	simm.s32 $_size__tile_overlayer_lowered;
	s7 =	simm.s32 $_tile_overlayer_lowered  }
0x9c: {  	s22 =	simm.s32 $0x1BFF;
	s21 =	sshll.u32 s7, $0x1;
	s4 =	sadd.s32 s5, s19  }
0x9d: {  	s8 =	simm.s32 $0x0;
	s20 =	sshll.u32 s6, $0x1;
	s6 =	sadd.s32 s21, s4  }
0x9e: {  	[timem:s8], [sflag:s22] =	dma.local [hbm:s6], s20  }
0x9f: {  	_ =	swait.ge [sflag:s22], s20  }
0xa0: {  	s5 =	ssub.s32 $0x0, s20;
	[sflag:s22] =	ssyncset.done $0x0  }
0xa1: {  	[sflag:s22] =	ssyncadd.s32 s5;
	_ =	sdelay $0x1  }
0xa2: {  	s23 =	simm.s32 $0x1B8B  }
0xa3: {  	_ =	swait.ge [sflag:s23], $0x1  }
0xa4: {  	[sflag:s23] =	ssyncset.done $0x0  }
0xa5: {  	s25 =	simm.s32 $0x1B8E;
	s24 =	sld [smem:$0x3FFE];
	[sflag:s23] =	ssyncadd.s32 $0xFFFFFFFF  }
0xa6: {  	s26 =	simm.s32 $execute0_lowered;
	[smem:$0x3FD2] =	sst s25  }
0xa7: {  	s6 =	sshll.u32 s26, $0x1;
	_ =	strace $0x80000046;
	[dreg:$0x1] =	wrdreg $0xFFFFFFFF  }
0xa8: {  	s28 =	simm.s32 $_size_execute0_lowered;
	s4 =	sadd.s32 s4, s6;
	[dreg:$0x0] =	wrdreg $0x0  }
0xa9: {  	s6 =	sshll.u32 s28, $0x1;
	[dreg:$0x2] =	wrdreg s4  }
0xaa: {  	[dreg:$0x3] =	wrdreg s6  }
0xab: {  	[dreg:$0x4] =	wrdreg $0xC0  }
0xac: {  	_ =	task [dreg:s8], $0x5FFFF  }
0xad: {  	[dreg:$0x1] =	wrdreg $0xFFFFFFFF  }
0xae: {  	[dreg:$0x0] =	wrdreg $0x60  }
0xaf: {  	[dreg:$0x2] =	wrdreg s2  }
0xb0: {  	[dreg:$0x3] =	wrdreg s18  }
0xb1: {  	[dreg:$0x4] =	wrdreg s24  }
0xb2: {  	[dreg:$0x5] =	wrdreg $0x89000  }
0xb3: {  	[dreg:$0x6] =	wrdreg $0x9  }
0xb4: {  	_ =	task.clear_ibuf [dreg:s8], $0x7FFFF;
	_ =	strace $0x90000046  }
0xb5: {  	s29 =	simm.s32 $0x9;
	_ =	strace $0x80000048  }
0xb6: {  	_ =	swait.ge [sflag:s29], $0x1  }
0xb7: {  	[sflag:s29] =	ssyncadd.s32 $0xFFFFFFFF  }
0xb8: {  	_ =	strace $0x90000048  }
0xb9: {  	_ =	sfence  }
0xba: {  	s30 =	sld [smem:$0x0];
	_ =	sdelay $0x2  }
0xbb: {  	s31 =	sshll.u32 s1, $0xD;
	s1 =	sshrl.u32 s1, $0x2  }
0xbc: {  	s3 =	sand.u32 $0x4000, s31;
	s1 =	sadd.s32 s1, s30  }
0xbd: {  	s0 =	sor.u32 s3, s0;
	s1 =	sshll.u32 s1, $0x11  }
0xbe: {  	s0 =	sor.u32 s1, s0  }
0xbf: {  	s0 =	sadd.s32 $0x8F2B, s0  }
0xc0: {  	[sflag:s0] =	ssyncadd.remote.s32 $0x1  }
0xc1: {  	_ =	sfence.sel $0xFFFF  }
0xc2: {  	[dreg:$0x0] =	wrdreg $0xFFFFFFFF;
	(pc) =	sbr.abs _section_cstart, $3  }
0xc3: {  	[dreg:$0x1] =	wrdreg $0xFFFFFFFF  }
0xc4: {  	_ =	task.clear_ibuf [dreg:s8], $0x2FFFF;
	_ =	strace $0x9FFFFFFF  }
0xc5: {  	(tm) =	ssettm $0x7FFFFFFF  }
tec
execute0_lowered:
.L_overlay_start_1:
0x0: {  	(tag) =	ssettag $0x1  }
0x1: {  	s1 =	rddreg [dreg:$0x0]  }
0x2: {  	s6 =	rddreg [dreg:$0x1]  }
0x3: {  	s5 =	rddreg [dreg:$0x2];
	s0 =	srdreg.scid  }
0x4: {  	s7 =	rddreg [dreg:$0x3];
	s3 =	simm.s32 $0x0;
	s2 =	stileid.u32  }
0x5: {  	s25 =	simm.s32 $0x100;
	s8 =	sand.u32 $0x1, s0;
	s0 =	rddreg [dreg:$0x4]  }
0x6: {  	s26 =	simm.s32 $0x180;
	s28 =	simm.s32 $0x200;
	[smem:$0x7FF] =	sst s3  }
0x7: {  	s29 =	simm.s32 $0x280;
	_ =	strace $0x80000047;
	[dreg:$0x7] =	wrdreg s25  }
0x8: {  	s30 =	simm.s32 $0x300;
	s31 =	simm.s32 $0x380;
	[dreg:$0x8] =	wrdreg s26  }
0x9: {  	s15 =	simm.s32 $0x400;
	s16 =	simm.s32 $0x480;
	[dreg:$0x9] =	wrdreg s28  }
0xa: {  	s17 =	simm.s32 $0x500;
	s18 =	simm.s32 $0x580;
	[dreg:$0xa] =	wrdreg s29  }
0xb: {  	s19 =	simm.s32 $0x600;
	s11 =	smul.u32 $0x13C00, s2;
	[dreg:$0xb] =	wrdreg s30  }
0xc: {  	s20 =	simm.s32 $0x700;
	s21 =	smul.u32 $0x4F000, s2;
	[dreg:$0xc] =	wrdreg s31  }
0xd: {  	s4 =	sadd.s32 $0xB200, s5;
	s14 =	smul.u32 $0x500, s2;
	[dreg:$0xd] =	wrdreg s15  }
0xe: {  	s23 =	sshll.u32 s2, $0x6;
	s9 =	smul.u32 $0x5000, s8;
	[dreg:$0xe] =	wrdreg s16  }
0xf: {  	s10 =	smul.u32 $0x13C000, s8;
	s8 =	ssub.s32 $0x2, s8;
	[dreg:$0xf] =	wrdreg s17  }
0x10: {  	s15 =	simm.s32 $0x880;
	s16 =	simm.s32 $0x4900;
	[dreg:$0x10] =	wrdreg s18  }
0x11: {  	s17 =	simm.s32 $0x2;
	s18 =	simm.s32 $0x4;
	[dreg:$0x11] =	wrdreg s19  }
0x12: {  	s19 =	simm.s32 $0x680;
	s13 =	sshrl.u32 s8, $0x1;
	s22 =	sshrl.u32 s21, $0x2  }
0x13: {  	s21 =	simm.s32 $0x780;
	s12 =	sadd.s32 s9, s5;
	s10 =	sadd.s32 s11, s10  }
0x14: {  	s8 =	ssub.s32 s8, s13;
	s11 =	sadd.s32 s22, s7;
	s9 =	sadd.s32 s9, s6  }
0x15: {  	s13 =	simm.s32 $0x1;
	s22 =	simm.s32 $0x0;
	s10 =	sshrl.u32 s10, $0x3  }
0x16: {  	s24 =	sadd.s32 s14, s12;
	s9 =	sadd.s32 s14, s9;
	s12 =	simm.s32 $0x900  }
0x17: {  	s14 =	simm.s32 $0x3;
	s10 =	sadd.s32 s10, s5;
	s5 =	sor.u32 $0x1C05, s23  }
0x18: {  	s7 =	sadd.s32 $0x1200, s24;
	[dreg:$0x6] =	wrdreg s9;
	s9 =	simm.s32 $0x5  }
0x19: {  	s6 =	sadd.s32 $0xDA00, s10;
	[dreg:$0x5] =	wrdreg s7;
	s7 =	smax.u32 s8, $0x1  }
0x1a: {  	s8 =	sshrl.u32 s11, $0x3;
	s10 =	simm.s32 $0x800;
	s11 =	simm.s32 $0x80  }
.LBB2_1:
0x1b: {  	[spmem:s8], [sflag:s5] =	dma.local [hbm:s4], $0x2780  }
0x1c: {  	_ =	swait.ge [sflag:s9], $0x2780  }
0x1d: {  	[sflag:s9] =	ssyncset.done $0x0  }
0x1e: {  	[sflag:s9] =	ssyncadd.s32 $0xFFFFD880  }
0x1f: {  	[bflag:$0x0] =	sbarrier.arrive $0xFFFF  }
0x20: {  	s23 =	rddreg [dreg:$0x6]  }
0x21: {  	s23 =	sadd.s32 $0x0, s23  }
0x22: {  	[tilespmem:s3], [sflag:$0x5] =	stream.linear.gather [hbm4b:s23+s3], $0x800, $0x38;
	[tilespmem:$0x1C500] =	vst v63  }
0x23: {  	_ =	swait.ge [sflag:s9], $0x800  }
0x24: {  	s25 =	rddreg [dreg:$0x5];
	[sflag:s9] =	ssyncset.done $0x0  }
0x25: {  	[sflag:s9] =	ssyncadd.s32 $0xFFFFF800;
	s23 =	sadd.s32 $0x0, s25  }
0x26: {  	[tilespmem:s10], [sflag:$0x3] =	stream.linear.gather [hbm4b:s23+s3], $0x80, $0x38;
	[tilespmem:$0x1C500] =	vst v63  }
0x27: {  	_ = 	snop  }
0x28: {  	[tilespmem:s12], [sflag:$0x1] =	stream.indirect.gather [hbm4b:s1+s11], $0x80, s3, s11, $0xb8;
	[tilespmem:$0x1C500] =	vst v63  }
0x29: {  	_ =	swait.ge [sflag:s13], $0x4000  }
0x2a: {  	[sflag:s13] =	ssyncset.done $0x0  }
0x2b: {  	[sflag:s13] =	ssyncadd.s32 $0xFFFFC000  }
0x2c: {  	_ =	swait.ge [sflag:s14], $0x80  }
0x2d: {  	[sflag:s14] =	ssyncset.done $0x0  }
0x2e: {  	s24 =	sadd.s32 $0x10, s23;
	[sflag:s14] =	ssyncadd.s32 $0xFFFFFF80  }
0x2f: {  	[tilespmem:s15], [sflag:$0x4] =	stream.linear.gather [hbm4b:s24+s3], $0x80, $0x38;
	[tilespmem:$0x1C500] =	vst v63  }
0x30: {  	_ = 	snop  }
0x31: {  	[tilespmem:s16], [sflag:$0x2] =	stream.indirect.gather [hbm4b:s1+s11], $0x80, s11, s11, $0xb8;
	[tilespmem:$0x1C500] =	vst v63  }
0x32: {  	_ =	swait.ge [sflag:s17], $0x4000  }
0x33: {  	[sflag:s17] =	ssyncset.done $0x0  }
0x34: {  	[sflag:s17] =	ssyncadd.s32 $0xFFFFC000  }
0x35: {  	_ =	swait.ge [sflag:s18], $0x80  }
0x36: {  	[sflag:s18] =	ssyncset.done $0x0  }
0x37: {  	s26 =	sadd.s32 $0x20, s23;
	[sflag:s18] =	ssyncadd.s32 $0xFFFFFF80  }
0x38: {  	[tilespmem:s10], [sflag:$0x3] =	stream.linear.gather [hbm4b:s26+s3], $0x80, $0x38;
	[tilespmem:$0x1C500] =	vst v63  }
0x39: {  	s25 =	rddreg [dreg:$0x7]  }
0x3a: {  	[tilespmem:s12], [sflag:$0x1] =	stream.indirect.gather [hbm4b:s1+s11], $0x80, s25, s11, $0xb8;
	[tilespmem:$0x1C500] =	vst v63  }
0x3b: {  	_ =	swait.ge [sflag:s13], $0x4000  }
0x3c: {  	[sflag:s13] =	ssyncset.done $0x0  }
0x3d: {  	[sflag:s13] =	ssyncadd.s32 $0xFFFFC000  }
0x3e: {  	_ =	swait.ge [sflag:s14], $0x80  }
0x3f: {  	[sflag:s14] =	ssyncset.done $0x0  }
0x40: {  	s28 =	sadd.s32 $0x30, s23;
	[sflag:s14] =	ssyncadd.s32 $0xFFFFFF80  }
0x41: {  	[tilespmem:s15], [sflag:$0x4] =	stream.linear.gather [hbm4b:s28+s3], $0x80, $0x38;
	[tilespmem:$0x1C500] =	vst v63  }
0x42: {  	s29 =	rddreg [dreg:$0x8]  }
0x43: {  	[tilespmem:s16], [sflag:$0x2] =	stream.indirect.gather [hbm4b:s1+s11], $0x80, s29, s11, $0xb8;
	[tilespmem:$0x1C500] =	vst v63  }
0x44: {  	_ =	swait.ge [sflag:s17], $0x4000  }
0x45: {  	[sflag:s17] =	ssyncset.done $0x0  }
0x46: {  	[sflag:s17] =	ssyncadd.s32 $0xFFFFC000  }
0x47: {  	_ =	swait.ge [sflag:s18], $0x80  }
0x48: {  	[sflag:s18] =	ssyncset.done $0x0  }
0x49: {  	s30 =	sadd.s32 $0x40, s23;
	[sflag:s18] =	ssyncadd.s32 $0xFFFFFF80  }
0x4a: {  	[tilespmem:s10], [sflag:$0x3] =	stream.linear.gather [hbm4b:s30+s3], $0x80, $0x38;
	[tilespmem:$0x1C500] =	vst v63  }
0x4b: {  	s31 =	rddreg [dreg:$0x9]  }
0x4c: {  	[tilespmem:s12], [sflag:$0x1] =	stream.indirect.gather [hbm4b:s1+s11], $0x80, s31, s11, $0xb8;
	[tilespmem:$0x1C500] =	vst v63  }
0x4d: {  	_ =	swait.ge [sflag:s13], $0x4000  }
0x4e: {  	[sflag:s13] =	ssyncset.done $0x0  }
0x4f: {  	[sflag:s13] =	ssyncadd.s32 $0xFFFFC000  }
0x50: {  	_ =	swait.ge [sflag:s14], $0x80  }
0x51: {  	[sflag:s14] =	ssyncset.done $0x0  }
0x52: {  	s25 =	sadd.s32 $0x50, s23;
	[sflag:s14] =	ssyncadd.s32 $0xFFFFFF80  }
0x53: {  	[tilespmem:s15], [sflag:$0x4] =	stream.linear.gather [hbm4b:s25+s3], $0x80, $0x38;
	[tilespmem:$0x1C500] =	vst v63  }
0x54: {  	s26 =	rddreg [dreg:$0xa]  }
0x55: {  	[tilespmem:s16], [sflag:$0x2] =	stream.indirect.gather [hbm4b:s1+s11], $0x80, s26, s11, $0xb8;
	[tilespmem:$0x1C500] =	vst v63  }
0x56: {  	_ =	swait.ge [sflag:s17], $0x4000  }
0x57: {  	[sflag:s17] =	ssyncset.done $0x0  }
0x58: {  	[sflag:s17] =	ssyncadd.s32 $0xFFFFC000  }
0x59: {  	_ =	swait.ge [sflag:s18], $0x80  }
0x5a: {  	[sflag:s18] =	ssyncset.done $0x0  }
0x5b: {  	s28 =	sadd.s32 $0x60, s23;
	[sflag:s18] =	ssyncadd.s32 $0xFFFFFF80  }
0x5c: {  	[tilespmem:s10], [sflag:$0x3] =	stream.linear.gather [hbm4b:s28+s3], $0x80, $0x38;
	[tilespmem:$0x1C500] =	vst v63  }
0x5d: {  	s29 =	rddreg [dreg:$0xb]  }
0x5e: {  	[tilespmem:s12], [sflag:$0x1] =	stream.indirect.gather [hbm4b:s1+s11], $0x80, s29, s11, $0xb8;
	[tilespmem:$0x1C500] =	vst v63  }
0x5f: {  	_ =	swait.ge [sflag:s13], $0x4000  }
0x60: {  	[sflag:s13] =	ssyncset.done $0x0  }
0x61: {  	[sflag:s13] =	ssyncadd.s32 $0xFFFFC000  }
0x62: {  	_ =	swait.ge [sflag:s14], $0x80  }
0x63: {  	[sflag:s14] =	ssyncset.done $0x0  }
0x64: {  	s30 =	sadd.s32 $0x70, s23;
	[sflag:s14] =	ssyncadd.s32 $0xFFFFFF80  }
0x65: {  	[tilespmem:s15], [sflag:$0x4] =	stream.linear.gather [hbm4b:s30+s3], $0x80, $0x38;
	[tilespmem:$0x1C500] =	vst v63  }
0x66: {  	s31 =	rddreg [dreg:$0xc]  }
0x67: {  	[tilespmem:s16], [sflag:$0x2] =	stream.indirect.gather [hbm4b:s1+s11], $0x80, s31, s11, $0xb8;
	[tilespmem:$0x1C500] =	vst v63  }
0x68: {  	_ =	swait.ge [sflag:s17], $0x4000  }
0x69: {  	[sflag:s17] =	ssyncset.done $0x0  }
0x6a: {  	[sflag:s17] =	ssyncadd.s32 $0xFFFFC000  }
0x6b: {  	_ =	swait.ge [sflag:s18], $0x80  }
0x6c: {  	[sflag:s18] =	ssyncset.done $0x0  }
0x6d: {  	s25 =	sadd.s32 $0x80, s23;
	[sflag:s18] =	ssyncadd.s32 $0xFFFFFF80  }
0x6e: {  	[tilespmem:s10], [sflag:$0x3] =	stream.linear.gather [hbm4b:s25+s3], $0x80, $0x38;
	[tilespmem:$0x1C500] =	vst v63  }
0x6f: {  	s26 =	rddreg [dreg:$0xd]  }
0x70: {  	[tilespmem:s12], [sflag:$0x1] =	stream.indirect.gather [hbm4b:s1+s11], $0x80, s26, s11, $0xb8;
	[tilespmem:$0x1C500] =	vst v63  }
0x71: {  	_ =	swait.ge [sflag:s13], $0x4000  }
0x72: {  	[sflag:s13] =	ssyncset.done $0x0  }
0x73: {  	[sflag:s13] =	ssyncadd.s32 $0xFFFFC000  }
0x74: {  	_ =	swait.ge [sflag:s14], $0x80  }
0x75: {  	[sflag:s14] =	ssyncset.done $0x0  }
0x76: {  	s28 =	sadd.s32 $0x90, s23;
	[sflag:s14] =	ssyncadd.s32 $0xFFFFFF80  }
0x77: {  	[tilespmem:s15], [sflag:$0x4] =	stream.linear.gather [hbm4b:s28+s3], $0x80, $0x38;
	[tilespmem:$0x1C500] =	vst v63  }
0x78: {  	s29 =	rddreg [dreg:$0xe]  }
0x79: {  	[tilespmem:s16], [sflag:$0x2] =	stream.indirect.gather [hbm4b:s1+s11], $0x80, s29, s11, $0xb8;
	[tilespmem:$0x1C500] =	vst v63  }
0x7a: {  	_ =	swait.ge [sflag:s17], $0x4000  }
0x7b: {  	[sflag:s17] =	ssyncset.done $0x0  }
0x7c: {  	[sflag:s17] =	ssyncadd.s32 $0xFFFFC000  }
0x7d: {  	_ =	swait.ge [sflag:s18], $0x80  }
0x7e: {  	[sflag:s18] =	ssyncset.done $0x0  }
0x7f: {  	s30 =	sadd.s32 $0xA0, s23;
	[sflag:s18] =	ssyncadd.s32 $0xFFFFFF80  }
0x80: {  	[tilespmem:s10], [sflag:$0x3] =	stream.linear.gather [hbm4b:s30+s3], $0x80, $0x38;
	[tilespmem:$0x1C500] =	vst v63  }
0x81: {  	s31 =	rddreg [dreg:$0xf]  }
0x82: {  	[tilespmem:s12], [sflag:$0x1] =	stream.indirect.gather [hbm4b:s1+s11], $0x80, s31, s11, $0xb8;
	[tilespmem:$0x1C500] =	vst v63  }
0x83: {  	_ =	swait.ge [sflag:s13], $0x4000  }
0x84: {  	[sflag:s13] =	ssyncset.done $0x0  }
0x85: {  	[sflag:s13] =	ssyncadd.s32 $0xFFFFC000  }
0x86: {  	_ =	swait.ge [sflag:s14], $0x80  }
0x87: {  	[sflag:s14] =	ssyncset.done $0x0  }
0x88: {  	s25 =	sadd.s32 $0xB0, s23;
	[sflag:s14] =	ssyncadd.s32 $0xFFFFFF80  }
0x89: {  	[tilespmem:s15], [sflag:$0x4] =	stream.linear.gather [hbm4b:s25+s3], $0x80, $0x38;
	[tilespmem:$0x1C500] =	vst v63  }
0x8a: {  	s26 =	rddreg [dreg:$0x10]  }
0x8b: {  	[tilespmem:s16], [sflag:$0x2] =	stream.indirect.gather [hbm4b:s1+s11], $0x80, s26, s11, $0xb8;
	[tilespmem:$0x1C500] =	vst v63  }
0x8c: {  	_ =	swait.ge [sflag:s17], $0x4000  }
0x8d: {  	[sflag:s17] =	ssyncset.done $0x0  }
0x8e: {  	[sflag:s17] =	ssyncadd.s32 $0xFFFFC000  }
0x8f: {  	_ =	swait.ge [sflag:s18], $0x80  }
0x90: {  	[sflag:s18] =	ssyncset.done $0x0  }
0x91: {  	s28 =	sadd.s32 $0xC0, s23;
	[sflag:s18] =	ssyncadd.s32 $0xFFFFFF80  }
0x92: {  	[tilespmem:s10], [sflag:$0x3] =	stream.linear.gather [hbm4b:s28+s3], $0x80, $0x38;
	[tilespmem:$0x1C500] =	vst v63  }
0x93: {  	s29 =	rddreg [dreg:$0x11]  }
0x94: {  	[tilespmem:s12], [sflag:$0x1] =	stream.indirect.gather [hbm4b:s1+s11], $0x80, s29, s11, $0xb8;
	[tilespmem:$0x1C500] =	vst v63  }
0x95: {  	_ =	swait.ge [sflag:s13], $0x4000  }
0x96: {  	[sflag:s13] =	ssyncset.done $0x0  }
0x97: {  	[sflag:s13] =	ssyncadd.s32 $0xFFFFC000  }
0x98: {  	_ =	swait.ge [sflag:s14], $0x80  }
0x99: {  	[sflag:s14] =	ssyncset.done $0x0  }
0x9a: {  	s30 =	sadd.s32 $0xD0, s23;
	[sflag:s14] =	ssyncadd.s32 $0xFFFFFF80  }
0x9b: {  	[tilespmem:s15], [sflag:$0x4] =	stream.linear.gather [hbm4b:s30+s3], $0x80, $0x38;
	[tilespmem:$0x1C500] =	vst v63  }
0x9c: {  	_ = 	snop  }
0x9d: {  	[tilespmem:s16], [sflag:$0x2] =	stream.indirect.gather [hbm4b:s1+s11], $0x80, s19, s11, $0xb8;
	[tilespmem:$0x1C500] =	vst v63  }
0x9e: {  	_ =	swait.ge [sflag:s17], $0x4000  }
0x9f: {  	[sflag:s17] =	ssyncset.done $0x0  }
0xa0: {  	[sflag:s17] =	ssyncadd.s32 $0xFFFFC000  }
0xa1: {  	_ =	swait.ge [sflag:s18], $0x80  }
0xa2: {  	[sflag:s18] =	ssyncset.done $0x0  }
0xa3: {  	s31 =	sadd.s32 $0xE0, s23;
	[sflag:s18] =	ssyncadd.s32 $0xFFFFFF80  }
0xa4: {  	[tilespmem:s10], [sflag:$0x3] =	stream.linear.gather [hbm4b:s31+s3], $0x80, $0x38;
	[tilespmem:$0x1C500] =	vst v63  }
0xa5: {  	_ = 	snop  }
0xa6: {  	[tilespmem:s12], [sflag:$0x1] =	stream.indirect.gather [hbm4b:s1+s11], $0x80, s20, s11, $0xb8;
	[tilespmem:$0x1C500] =	vst v63  }
0xa7: {  	_ =	swait.ge [sflag:s13], $0x4000  }
0xa8: {  	[sflag:s13] =	ssyncset.done $0x0  }
0xa9: {  	[sflag:s13] =	ssyncadd.s32 $0xFFFFC000  }
0xaa: {  	_ =	swait.ge [sflag:s14], $0x80  }
0xab: {  	[sflag:s14] =	ssyncset.done $0x0  }
0xac: {  	s23 =	sadd.s32 $0xF0, s23;
	[sflag:s14] =	ssyncadd.s32 $0xFFFFFF80  }
0xad: {  	[tilespmem:s15], [sflag:$0x4] =	stream.linear.gather [hbm4b:s23+s3], $0x80, $0x38;
	[tilespmem:$0x1C500] =	vst v63  }
0xae: {  	_ = 	snop  }
0xaf: {  	[tilespmem:s16], [sflag:$0x2] =	stream.indirect.gather [hbm4b:s1+s11], $0x80, s21, s11, $0xb8;
	[tilespmem:$0x1C500] =	vst v63  }
0xb0: {  	_ =	swait.ge [sflag:s17], $0x4000  }
0xb1: {  	[sflag:s17] =	ssyncset.done $0x0  }
0xb2: {  	[sflag:s17] =	ssyncadd.s32 $0xFFFFC000  }
0xb3: {  	s24 =	simm.s32 $0x200;
	_ =	swait.ge [sflag:s18], $0x80  }
0xb4: {  	s23 =	simm.s32 $0x100;
	s25 =	rddreg [dreg:$0x6];
	[sflag:s18] =	ssyncset.done $0x0  }
.LBB2_2:
0xb5: {  	[sflag:s18] =	ssyncadd.s32 $0xFFFFFF80;
	s25 =	sadd.s32 s23, s25  }
0xb6: {  	[tilespmem:s3], [sflag:$0x5] =	stream.linear.gather [hbm4b:s25+s3], $0x800, $0x38;
	[tilespmem:$0x1C500] =	vst v63  }
0xb7: {  	_ =	swait.ge [sflag:s9], $0x800  }
0xb8: {  	s28 =	rddreg [dreg:$0x5];
	[sflag:s9] =	ssyncset.done $0x0  }
0xb9: {  	[sflag:s9] =	ssyncadd.s32 $0xFFFFF800;
	s25 =	sadd.s32 s23, s28  }
0xba: {  	[tilespmem:s10], [sflag:$0x3] =	stream.linear.gather [hbm4b:s25+s3], $0x80, $0x38;
	[tilespmem:$0x1C500] =	vst v63  }
0xbb: {  	_ = 	snop  }
0xbc: {  	[tilespmem:s12], [sflag:$0x1] =	stream.indirect.gather [hbm4b:s1+s11], $0x80, s3, s11, $0xb8;
	[tilespmem:$0x1C500] =	vst v63  }
0xbd: {  	_ =	swait.ge [sflag:s13], $0x4000  }
0xbe: {  	[sflag:s13] =	ssyncset.done $0x0  }
0xbf: {  	[sflag:s13] =	ssyncadd.s32 $0xFFFFC000  }
0xc0: {  	_ =	swait.ge [sflag:s14], $0x80  }
0xc1: {  	[sflag:s14] =	ssyncset.done $0x0  }
0xc2: {  	s29 =	sadd.s32 $0x10, s25;
	[sflag:s14] =	ssyncadd.s32 $0xFFFFFF80  }
0xc3: {  	[tilespmem:s15], [sflag:$0x4] =	stream.linear.gather [hbm4b:s29+s3], $0x80, $0x38;
	[tilespmem:$0x1C500] =	vst v63  }
0xc4: {  	_ = 	snop  }
0xc5: {  	[tilespmem:s16], [sflag:$0x2] =	stream.indirect.gather [hbm4b:s1+s11], $0x80, s11, s11, $0xb8;
	[tilespmem:$0x1C500] =	vst v63  }
0xc6: {  	_ =	swait.ge [sflag:s17], $0x4000  }
0xc7: {  	[sflag:s17] =	ssyncset.done $0x0  }
0xc8: {  	[sflag:s17] =	ssyncadd.s32 $0xFFFFC000  }
0xc9: {  	_ =	swait.ge [sflag:s18], $0x80  }
0xca: {  	[sflag:s18] =	ssyncset.done $0x0  }
0xcb: {  	s30 =	sadd.s32 $0x20, s25;
	[sflag:s18] =	ssyncadd.s32 $0xFFFFFF80  }
0xcc: {  	[tilespmem:s10], [sflag:$0x3] =	stream.linear.gather [hbm4b:s30+s3], $0x80, $0x38;
	[tilespmem:$0x1C500] =	vst v63  }
0xcd: {  	s28 =	rddreg [dreg:$0x7]  }
0xce: {  	[tilespmem:s12], [sflag:$0x1] =	stream.indirect.gather [hbm4b:s1+s11], $0x80, s28, s11, $0xb8;
	[tilespmem:$0x1C500] =	vst v63  }
0xcf: {  	_ =	swait.ge [sflag:s13], $0x4000  }
0xd0: {  	[sflag:s13] =	ssyncset.done $0x0  }
0xd1: {  	[sflag:s13] =	ssyncadd.s32 $0xFFFFC000  }
0xd2: {  	_ =	swait.ge [sflag:s14], $0x80  }
0xd3: {  	[sflag:s14] =	ssyncset.done $0x0  }
0xd4: {  	s31 =	sadd.s32 $0x30, s25;
	[sflag:s14] =	ssyncadd.s32 $0xFFFFFF80  }
0xd5: {  	[tilespmem:s15], [sflag:$0x4] =	stream.linear.gather [hbm4b:s31+s3], $0x80, $0x38;
	[tilespmem:$0x1C500] =	vst v63  }
0xd6: {  	s29 =	rddreg [dreg:$0x8]  }
0xd7: {  	[tilespmem:s16], [sflag:$0x2] =	stream.indirect.gather [hbm4b:s1+s11], $0x80, s29, s11, $0xb8;
	[tilespmem:$0x1C500] =	vst v63  }
0xd8: {  	_ =	swait.ge [sflag:s17], $0x4000  }
0xd9: {  	[sflag:s17] =	ssyncset.done $0x0  }
0xda: {  	[sflag:s17] =	ssyncadd.s32 $0xFFFFC000  }
0xdb: {  	_ =	swait.ge [sflag:s18], $0x80  }
0xdc: {  	[sflag:s18] =	ssyncset.done $0x0  }
0xdd: {  	s30 =	sadd.s32 $0x40, s25;
	[sflag:s18] =	ssyncadd.s32 $0xFFFFFF80  }
0xde: {  	[tilespmem:s10], [sflag:$0x3] =	stream.linear.gather [hbm4b:s30+s3], $0x80, $0x38;
	[tilespmem:$0x1C500] =	vst v63  }
0xdf: {  	s31 =	rddreg [dreg:$0x9]  }
0xe0: {  	[tilespmem:s12], [sflag:$0x1] =	stream.indirect.gather [hbm4b:s1+s11], $0x80, s31, s11, $0xb8;
	[tilespmem:$0x1C500] =	vst v63  }
0xe1: {  	_ =	swait.ge [sflag:s13], $0x4000  }
0xe2: {  	[sflag:s13] =	ssyncset.done $0x0  }
0xe3: {  	[sflag:s13] =	ssyncadd.s32 $0xFFFFC000  }
0xe4: {  	_ =	swait.ge [sflag:s14], $0x80  }
0xe5: {  	[sflag:s14] =	ssyncset.done $0x0  }
0xe6: {  	s29 =	sadd.s32 $0x50, s25;
	[sflag:s14] =	ssyncadd.s32 $0xFFFFFF80  }
0xe7: {  	[tilespmem:s15], [sflag:$0x4] =	stream.linear.gather [hbm4b:s29+s3], $0x80, $0x38;
	[tilespmem:$0x1C500] =	vst v63  }
0xe8: {  	s30 =	rddreg [dreg:$0xa]  }
0xe9: {  	[tilespmem:s16], [sflag:$0x2] =	stream.indirect.gather [hbm4b:s1+s11], $0x80, s30, s11, $0xb8;
	[tilespmem:$0x1C500] =	vst v63  }
0xea: {  	_ =	swait.ge [sflag:s17], $0x4000  }
0xeb: {  	[sflag:s17] =	ssyncset.done $0x0  }
0xec: {  	[sflag:s17] =	ssyncadd.s32 $0xFFFFC000  }
0xed: {  	_ =	swait.ge [sflag:s18], $0x80  }
0xee: {  	[sflag:s18] =	ssyncset.done $0x0  }
0xef: {  	s31 =	sadd.s32 $0x60, s25;
	[sflag:s18] =	ssyncadd.s32 $0xFFFFFF80  }
0xf0: {  	[tilespmem:s10], [sflag:$0x3] =	stream.linear.gather [hbm4b:s31+s3], $0x80, $0x38;
	[tilespmem:$0x1C500] =	vst v63  }
0xf1: {  	s29 =	rddreg [dreg:$0xb]  }
0xf2: {  	[tilespmem:s12], [sflag:$0x1] =	stream.indirect.gather [hbm4b:s1+s11], $0x80, s29, s11, $0xb8;
	[tilespmem:$0x1C500] =	vst v63  }
0xf3: {  	_ =	swait.ge [sflag:s13], $0x4000  }
0xf4: {  	[sflag:s13] =	ssyncset.done $0x0  }
0xf5: {  	[sflag:s13] =	ssyncadd.s32 $0xFFFFC000  }
0xf6: {  	_ =	swait.ge [sflag:s14], $0x80  }
0xf7: {  	[sflag:s14] =	ssyncset.done $0x0  }
0xf8: {  	s30 =	sadd.s32 $0x70, s25;
	[sflag:s14] =	ssyncadd.s32 $0xFFFFFF80  }
0xf9: {  	[tilespmem:s15], [sflag:$0x4] =	stream.linear.gather [hbm4b:s30+s3], $0x80, $0x38;
	[tilespmem:$0x1C500] =	vst v63  }
0xfa: {  	s31 =	rddreg [dreg:$0xc]  }
0xfb: {  	[tilespmem:s16], [sflag:$0x2] =	stream.indirect.gather [hbm4b:s1+s11], $0x80, s31, s11, $0xb8;
	[tilespmem:$0x1C500] =	vst v63  }
0xfc: {  	_ =	swait.ge [sflag:s17], $0x4000  }
0xfd: {  	[sflag:s17] =	ssyncset.done $0x0  }
0xfe: {  	[sflag:s17] =	ssyncadd.s32 $0xFFFFC000  }
0xff: {  	_ =	swait.ge [sflag:s18], $0x80  }
0x100: {  	[sflag:s18] =	ssyncset.done $0x0  }
0x101: {  	s29 =	sadd.s32 $0x80, s25;
	[sflag:s18] =	ssyncadd.s32 $0xFFFFFF80  }
0x102: {  	[tilespmem:s10], [sflag:$0x3] =	stream.linear.gather [hbm4b:s29+s3], $0x80, $0x38;
	[tilespmem:$0x1C500] =	vst v63  }
0x103: {  	s30 =	rddreg [dreg:$0xd]  }
0x104: {  	[tilespmem:s12], [sflag:$0x1] =	stream.indirect.gather [hbm4b:s1+s11], $0x80, s30, s11, $0xb8;
	[tilespmem:$0x1C500] =	vst v63  }
0x105: {  	_ =	swait.ge [sflag:s13], $0x4000  }
0x106: {  	[sflag:s13] =	ssyncset.done $0x0  }
0x107: {  	[sflag:s13] =	ssyncadd.s32 $0xFFFFC000  }
0x108: {  	_ =	swait.ge [sflag:s14], $0x80  }
0x109: {  	[sflag:s14] =	ssyncset.done $0x0  }
0x10a: {  	s31 =	sadd.s32 $0x90, s25;
	[sflag:s14] =	ssyncadd.s32 $0xFFFFFF80  }
0x10b: {  	[tilespmem:s15], [sflag:$0x4] =	stream.linear.gather [hbm4b:s31+s3], $0x80, $0x38;
	[tilespmem:$0x1C500] =	vst v63  }
0x10c: {  	s29 =	rddreg [dreg:$0xe]  }
0x10d: {  	[tilespmem:s16], [sflag:$0x2] =	stream.indirect.gather [hbm4b:s1+s11], $0x80, s29, s11, $0xb8;
	[tilespmem:$0x1C500] =	vst v63  }
0x10e: {  	_ =	swait.ge [sflag:s17], $0x4000  }
0x10f: {  	[sflag:s17] =	ssyncset.done $0x0  }
0x110: {  	[sflag:s17] =	ssyncadd.s32 $0xFFFFC000  }
0x111: {  	_ =	swait.ge [sflag:s18], $0x80  }
0x112: {  	[sflag:s18] =	ssyncset.done $0x0  }
0x113: {  	s30 =	sadd.s32 $0xA0, s25;
	[sflag:s18] =	ssyncadd.s32 $0xFFFFFF80  }
0x114: {  	[tilespmem:s10], [sflag:$0x3] =	stream.linear.gather [hbm4b:s30+s3], $0x80, $0x38;
	[tilespmem:$0x1C500] =	vst v63  }
0x115: {  	s31 =	rddreg [dreg:$0xf]  }
0x116: {  	[tilespmem:s12], [sflag:$0x1] =	stream.indirect.gather [hbm4b:s1+s11], $0x80, s31, s11, $0xb8;
	[tilespmem:$0x1C500] =	vst v63  }
0x117: {  	_ =	swait.ge [sflag:s13], $0x4000  }
0x118: {  	[sflag:s13] =	ssyncset.done $0x0  }
0x119: {  	[sflag:s13] =	ssyncadd.s32 $0xFFFFC000  }
0x11a: {  	_ =	swait.ge [sflag:s14], $0x80  }
0x11b: {  	[sflag:s14] =	ssyncset.done $0x0  }
0x11c: {  	s29 =	sadd.s32 $0xB0, s25;
	[sflag:s14] =	ssyncadd.s32 $0xFFFFFF80  }
0x11d: {  	[tilespmem:s15], [sflag:$0x4] =	stream.linear.gather [hbm4b:s29+s3], $0x80, $0x38;
	[tilespmem:$0x1C500] =	vst v63  }
0x11e: {  	s30 =	rddreg [dreg:$0x10]  }
0x11f: {  	[tilespmem:s16], [sflag:$0x2] =	stream.indirect.gather [hbm4b:s1+s11], $0x80, s30, s11, $0xb8;
	[tilespmem:$0x1C500] =	vst v63  }
0x120: {  	_ =	swait.ge [sflag:s17], $0x4000  }
0x121: {  	[sflag:s17] =	ssyncset.done $0x0  }
0x122: {  	[sflag:s17] =	ssyncadd.s32 $0xFFFFC000  }
0x123: {  	_ =	swait.ge [sflag:s18], $0x80  }
0x124: {  	[sflag:s18] =	ssyncset.done $0x0  }
0x125: {  	s31 =	sadd.s32 $0xC0, s25;
	[sflag:s18] =	ssyncadd.s32 $0xFFFFFF80  }
0x126: {  	[tilespmem:s10], [sflag:$0x3] =	stream.linear.gather [hbm4b:s31+s3], $0x80, $0x38;
	[tilespmem:$0x1C500] =	vst v63  }
0x127: {  	s29 =	rddreg [dreg:$0x11]  }
0x128: {  	[tilespmem:s12], [sflag:$0x1] =	stream.indirect.gather [hbm4b:s1+s11], $0x80, s29, s11, $0xb8;
	[tilespmem:$0x1C500] =	vst v63  }
0x129: {  	_ =	swait.ge [sflag:s13], $0x4000  }
0x12a: {  	[sflag:s13] =	ssyncset.done $0x0  }
0x12b: {  	[sflag:s13] =	ssyncadd.s32 $0xFFFFC000  }
0x12c: {  	_ =	swait.ge [sflag:s14], $0x80  }
0x12d: {  	[sflag:s14] =	ssyncset.done $0x0  }
0x12e: {  	s30 =	sadd.s32 $0xD0, s25;
	[sflag:s14] =	ssyncadd.s32 $0xFFFFFF80  }
0x12f: {  	[tilespmem:s15], [sflag:$0x4] =	stream.linear.gather [hbm4b:s30+s3], $0x80, $0x38;
	[tilespmem:$0x1C500] =	vst v63  }
0x130: {  	_ = 	snop  }
0x131: {  	[tilespmem:s16], [sflag:$0x2] =	stream.indirect.gather [hbm4b:s1+s11], $0x80, s19, s11, $0xb8;
	[tilespmem:$0x1C500] =	vst v63  }
0x132: {  	_ =	swait.ge [sflag:s17], $0x4000  }
0x133: {  	[sflag:s17] =	ssyncset.done $0x0  }
0x134: {  	[sflag:s17] =	ssyncadd.s32 $0xFFFFC000  }
0x135: {  	_ =	swait.ge [sflag:s18], $0x80  }
0x136: {  	[sflag:s18] =	ssyncset.done $0x0  }
0x137: {  	s31 =	sadd.s32 $0xE0, s25;
	[sflag:s18] =	ssyncadd.s32 $0xFFFFFF80  }
0x138: {  	[tilespmem:s10], [sflag:$0x3] =	stream.linear.gather [hbm4b:s31+s3], $0x80, $0x38;
	[tilespmem:$0x1C500] =	vst v63  }
0x139: {  	_ = 	snop  }
0x13a: {  	[tilespmem:s12], [sflag:$0x1] =	stream.indirect.gather [hbm4b:s1+s11], $0x80, s20, s11, $0xb8;
	[tilespmem:$0x1C500] =	vst v63  }
0x13b: {  	_ =	swait.ge [sflag:s13], $0x4000  }
0x13c: {  	[sflag:s13] =	ssyncset.done $0x0  }
0x13d: {  	[sflag:s13] =	ssyncadd.s32 $0xFFFFC000  }
0x13e: {  	_ =	swait.ge [sflag:s14], $0x80  }
0x13f: {  	[sflag:s14] =	ssyncset.done $0x0  }
0x140: {  	s25 =	sadd.s32 $0xF0, s25;
	[sflag:s14] =	ssyncadd.s32 $0xFFFFFF80  }
0x141: {  	[tilespmem:s15], [sflag:$0x4] =	stream.linear.gather [hbm4b:s25+s3], $0x80, $0x38;
	[tilespmem:$0x1C500] =	vst v63  }
0x142: {  	p0 =	sne.s32 s24, $0x400  }
0x143: {  	[tilespmem:s16], [sflag:$0x2] =	stream.indirect.gather [hbm4b:s1+s11], $0x80, s21, s11, $0xb8;
	[tilespmem:$0x1C500] =	vst v63  }
.Ltmp0:
0x144: {  	_ =	swait.ge [sflag:s17], $0x4000;
	(pc) =	sbr.rel @p0 .LBB2_2-.Ltmp0, $4  }
0x145: {  	[sflag:s17] =	ssyncset.done $0x0  }
0x146: {  	[sflag:s17] =	ssyncadd.s32 $0xFFFFC000  }
0x147: {  	s26 =	smov.u32 s24;
	s24 =	sadd.s32 $0x100, s24;
	_ =	swait.ge [sflag:s18], $0x80  }
0x148: {  	s23 =	smov.u32 s26;
	s25 =	rddreg [dreg:$0x6];
	[sflag:s18] =	ssyncset.done $0x0  }
0x149: {  	[sflag:s18] =	ssyncadd.s32 $0xFFFFFF80;
	s24 =	sadd.s32 s23, s25  }
0x14a: {  	[tilespmem:s3], [sflag:$0x5] =	stream.linear.gather [hbm4b:s24+s3], $0x800, $0x38;
	[tilespmem:$0x1C500] =	vst v63  }
0x14b: {  	_ =	swait.ge [sflag:s9], $0x800  }
0x14c: {  	s31 =	rddreg [dreg:$0x5];
	[sflag:s9] =	ssyncset.done $0x0  }
0x14d: {  	[sflag:s9] =	ssyncadd.s32 $0xFFFFF800;
	s23 =	sadd.s32 s23, s31  }
0x14e: {  	[tilespmem:s10], [sflag:$0x3] =	stream.linear.gather [hbm4b:s23+s3], $0x80, $0x38;
	[tilespmem:$0x1C500] =	vst v63  }
0x14f: {  	_ = 	snop  }
0x150: {  	[tilespmem:s12], [sflag:$0x1] =	stream.indirect.gather [hbm4b:s1+s11], $0x80, s3, s11, $0xb8;
	[tilespmem:$0x1C500] =	vst v63  }
0x151: {  	_ =	swait.ge [sflag:s13], $0x4000  }
0x152: {  	[sflag:s13] =	ssyncset.done $0x0  }
0x153: {  	[sflag:s13] =	ssyncadd.s32 $0xFFFFC000  }
0x154: {  	_ =	swait.ge [sflag:s14], $0x80  }
0x155: {  	[sflag:s14] =	ssyncset.done $0x0  }
0x156: {  	s24 =	sadd.s32 $0x10, s23;
	[sflag:s14] =	ssyncadd.s32 $0xFFFFFF80  }
0x157: {  	[tilespmem:s15], [sflag:$0x4] =	stream.linear.gather [hbm4b:s24+s3], $0x80, $0x38;
	[tilespmem:$0x1C500] =	vst v63  }
0x158: {  	_ = 	snop  }
0x159: {  	[tilespmem:s16], [sflag:$0x2] =	stream.indirect.gather [hbm4b:s1+s11], $0x80, s11, s11, $0xb8;
	[tilespmem:$0x1C500] =	vst v63  }
0x15a: {  	_ =	swait.ge [sflag:s17], $0x4000  }
0x15b: {  	[sflag:s17] =	ssyncset.done $0x0  }
0x15c: {  	[sflag:s17] =	ssyncadd.s32 $0xFFFFC000  }
0x15d: {  	_ =	swait.ge [sflag:s18], $0x80  }
0x15e: {  	[sflag:s18] =	ssyncset.done $0x0  }
0x15f: {  	s25 =	sadd.s32 $0x20, s23;
	[sflag:s18] =	ssyncadd.s32 $0xFFFFFF80  }
0x160: {  	[tilespmem:s10], [sflag:$0x3] =	stream.linear.gather [hbm4b:s25+s3], $0x80, $0x38;
	[tilespmem:$0x1C500] =	vst v63  }
0x161: {  	s26 =	rddreg [dreg:$0x7]  }
0x162: {  	[tilespmem:s12], [sflag:$0x1] =	stream.indirect.gather [hbm4b:s1+s11], $0x80, s26, s11, $0xb8;
	[tilespmem:$0x1C500] =	vst v63  }
0x163: {  	_ =	swait.ge [sflag:s13], $0x4000  }
0x164: {  	[sflag:s13] =	ssyncset.done $0x0  }
0x165: {  	[sflag:s13] =	ssyncadd.s32 $0xFFFFC000  }
0x166: {  	_ =	swait.ge [sflag:s14], $0x80  }
0x167: {  	[sflag:s14] =	ssyncset.done $0x0  }
0x168: {  	s28 =	sadd.s32 $0x30, s23;
	[sflag:s14] =	ssyncadd.s32 $0xFFFFFF80  }
0x169: {  	[tilespmem:s15], [sflag:$0x4] =	stream.linear.gather [hbm4b:s28+s3], $0x80, $0x38;
	[tilespmem:$0x1C500] =	vst v63  }
0x16a: {  	s29 =	rddreg [dreg:$0x8]  }
0x16b: {  	[tilespmem:s16], [sflag:$0x2] =	stream.indirect.gather [hbm4b:s1+s11], $0x80, s29, s11, $0xb8;
	[tilespmem:$0x1C500] =	vst v63  }
0x16c: {  	_ =	swait.ge [sflag:s17], $0x4000  }
0x16d: {  	[sflag:s17] =	ssyncset.done $0x0  }
0x16e: {  	[sflag:s17] =	ssyncadd.s32 $0xFFFFC000  }
0x16f: {  	_ =	swait.ge [sflag:s18], $0x80  }
0x170: {  	[sflag:s18] =	ssyncset.done $0x0  }
0x171: {  	s30 =	sadd.s32 $0x40, s23;
	[sflag:s18] =	ssyncadd.s32 $0xFFFFFF80  }
0x172: {  	[tilespmem:s10], [sflag:$0x3] =	stream.linear.gather [hbm4b:s30+s3], $0x80, $0x38;
	[tilespmem:$0x1C500] =	vst v63  }
0x173: {  	s31 =	rddreg [dreg:$0x9]  }
0x174: {  	[tilespmem:s12], [sflag:$0x1] =	stream.indirect.gather [hbm4b:s1+s11], $0x80, s31, s11, $0xb8;
	[tilespmem:$0x1C500] =	vst v63  }
0x175: {  	_ =	swait.ge [sflag:s13], $0x4000  }
0x176: {  	[sflag:s13] =	ssyncset.done $0x0  }
0x177: {  	[sflag:s13] =	ssyncadd.s32 $0xFFFFC000  }
0x178: {  	_ =	swait.ge [sflag:s14], $0x80  }
0x179: {  	[sflag:s14] =	ssyncset.done $0x0  }
0x17a: {  	s25 =	sadd.s32 $0x50, s23;
	[sflag:s14] =	ssyncadd.s32 $0xFFFFFF80  }
0x17b: {  	[tilespmem:s15], [sflag:$0x4] =	stream.linear.gather [hbm4b:s25+s3], $0x80, $0x38;
	[tilespmem:$0x1C500] =	vst v63  }
0x17c: {  	s26 =	rddreg [dreg:$0xa]  }
0x17d: {  	[tilespmem:s16], [sflag:$0x2] =	stream.indirect.gather [hbm4b:s1+s11], $0x80, s26, s11, $0xb8;
	[tilespmem:$0x1C500] =	vst v63  }
0x17e: {  	_ =	swait.ge [sflag:s17], $0x4000  }
0x17f: {  	[sflag:s17] =	ssyncset.done $0x0  }
0x180: {  	[sflag:s17] =	ssyncadd.s32 $0xFFFFC000  }
0x181: {  	_ =	swait.ge [sflag:s18], $0x80  }
0x182: {  	[sflag:s18] =	ssyncset.done $0x0  }
0x183: {  	s28 =	sadd.s32 $0x60, s23;
	[sflag:s18] =	ssyncadd.s32 $0xFFFFFF80  }
0x184: {  	[tilespmem:s10], [sflag:$0x3] =	stream.linear.gather [hbm4b:s28+s3], $0x80, $0x38;
	[tilespmem:$0x1C500] =	vst v63  }
0x185: {  	s29 =	rddreg [dreg:$0xb]  }
0x186: {  	[tilespmem:s12], [sflag:$0x1] =	stream.indirect.gather [hbm4b:s1+s11], $0x80, s29, s11, $0xb8;
	[tilespmem:$0x1C500] =	vst v63  }
0x187: {  	_ =	swait.ge [sflag:s13], $0x4000  }
0x188: {  	[sflag:s13] =	ssyncset.done $0x0  }
0x189: {  	[sflag:s13] =	ssyncadd.s32 $0xFFFFC000  }
0x18a: {  	_ =	swait.ge [sflag:s14], $0x80  }
0x18b: {  	[sflag:s14] =	ssyncset.done $0x0  }
0x18c: {  	s30 =	sadd.s32 $0x70, s23;
	[sflag:s14] =	ssyncadd.s32 $0xFFFFFF80  }
0x18d: {  	[tilespmem:s15], [sflag:$0x4] =	stream.linear.gather [hbm4b:s30+s3], $0x80, $0x38;
	[tilespmem:$0x1C500] =	vst v63  }
0x18e: {  	s31 =	rddreg [dreg:$0xc]  }
0x18f: {  	[tilespmem:s16], [sflag:$0x2] =	stream.indirect.gather [hbm4b:s1+s11], $0x80, s31, s11, $0xb8;
	[tilespmem:$0x1C500] =	vst v63  }
0x190: {  	_ =	swait.ge [sflag:s17], $0x4000  }
0x191: {  	[sflag:s17] =	ssyncset.done $0x0  }
0x192: {  	[sflag:s17] =	ssyncadd.s32 $0xFFFFC000  }
0x193: {  	_ =	swait.ge [sflag:s18], $0x80  }
0x194: {  	[sflag:s18] =	ssyncset.done $0x0  }
0x195: {  	s25 =	sadd.s32 $0x80, s23;
	[sflag:s18] =	ssyncadd.s32 $0xFFFFFF80  }
0x196: {  	[tilespmem:s10], [sflag:$0x3] =	stream.linear.gather [hbm4b:s25+s3], $0x80, $0x38;
	[tilespmem:$0x1C500] =	vst v63  }
0x197: {  	s26 =	rddreg [dreg:$0xd]  }
0x198: {  	[tilespmem:s12], [sflag:$0x1] =	stream.indirect.gather [hbm4b:s1+s11], $0x80, s26, s11, $0xb8;
	[tilespmem:$0x1C500] =	vst v63  }
0x199: {  	_ =	swait.ge [sflag:s13], $0x4000  }
0x19a: {  	[sflag:s13] =	ssyncset.done $0x0  }
0x19b: {  	[sflag:s13] =	ssyncadd.s32 $0xFFFFC000  }
0x19c: {  	_ =	swait.ge [sflag:s14], $0x80  }
0x19d: {  	[sflag:s14] =	ssyncset.done $0x0  }
0x19e: {  	s28 =	sadd.s32 $0x90, s23;
	[sflag:s14] =	ssyncadd.s32 $0xFFFFFF80  }
0x19f: {  	[tilespmem:s15], [sflag:$0x4] =	stream.linear.gather [hbm4b:s28+s3], $0x80, $0x38;
	[tilespmem:$0x1C500] =	vst v63  }
0x1a0: {  	s29 =	rddreg [dreg:$0xe]  }
0x1a1: {  	[tilespmem:s16], [sflag:$0x2] =	stream.indirect.gather [hbm4b:s1+s11], $0x80, s29, s11, $0xb8;
	[tilespmem:$0x1C500] =	vst v63  }
0x1a2: {  	_ =	swait.ge [sflag:s17], $0x4000  }
0x1a3: {  	[sflag:s17] =	ssyncset.done $0x0  }
0x1a4: {  	[sflag:s17] =	ssyncadd.s32 $0xFFFFC000  }
0x1a5: {  	_ =	swait.ge [sflag:s18], $0x80  }
0x1a6: {  	[sflag:s18] =	ssyncset.done $0x0  }
0x1a7: {  	s30 =	sadd.s32 $0xA0, s23;
	[sflag:s18] =	ssyncadd.s32 $0xFFFFFF80  }
0x1a8: {  	[tilespmem:s10], [sflag:$0x3] =	stream.linear.gather [hbm4b:s30+s3], $0x80, $0x38;
	[tilespmem:$0x1C500] =	vst v63  }
0x1a9: {  	s31 =	rddreg [dreg:$0xf]  }
0x1aa: {  	[tilespmem:s12], [sflag:$0x1] =	stream.indirect.gather [hbm4b:s1+s11], $0x80, s31, s11, $0xb8;
	[tilespmem:$0x1C500] =	vst v63  }
0x1ab: {  	_ =	swait.ge [sflag:s13], $0x4000  }
0x1ac: {  	[sflag:s13] =	ssyncset.done $0x0  }
0x1ad: {  	[sflag:s13] =	ssyncadd.s32 $0xFFFFC000  }
0x1ae: {  	_ =	swait.ge [sflag:s14], $0x80  }
0x1af: {  	[sflag:s14] =	ssyncset.done $0x0  }
0x1b0: {  	s25 =	sadd.s32 $0xB0, s23;
	[sflag:s14] =	ssyncadd.s32 $0xFFFFFF80  }
0x1b1: {  	[tilespmem:s15], [sflag:$0x4] =	stream.linear.gather [hbm4b:s25+s3], $0x80, $0x38;
	[tilespmem:$0x1C500] =	vst v63  }
0x1b2: {  	s26 =	rddreg [dreg:$0x10]  }
0x1b3: {  	[tilespmem:s16], [sflag:$0x2] =	stream.indirect.gather [hbm4b:s1+s11], $0x80, s26, s11, $0xb8;
	[tilespmem:$0x1C500] =	vst v63  }
0x1b4: {  	_ =	swait.ge [sflag:s17], $0x4000  }
0x1b5: {  	[sflag:s17] =	ssyncset.done $0x0  }
0x1b6: {  	[sflag:s17] =	ssyncadd.s32 $0xFFFFC000  }
0x1b7: {  	_ =	swait.ge [sflag:s18], $0x80  }
0x1b8: {  	[sflag:s18] =	ssyncset.done $0x0  }
0x1b9: {  	s28 =	sadd.s32 $0xC0, s23;
	[sflag:s18] =	ssyncadd.s32 $0xFFFFFF80  }
0x1ba: {  	[tilespmem:s10], [sflag:$0x3] =	stream.linear.gather [hbm4b:s28+s3], $0x80, $0x38;
	[tilespmem:$0x1C500] =	vst v63  }
0x1bb: {  	s29 =	rddreg [dreg:$0x11]  }
0x1bc: {  	[tilespmem:s12], [sflag:$0x1] =	stream.indirect.gather [hbm4b:s1+s11], $0x80, s29, s11, $0xb8;
	[tilespmem:$0x1C500] =	vst v63  }
0x1bd: {  	_ =	swait.ge [sflag:s13], $0x4000  }
0x1be: {  	[sflag:s13] =	ssyncset.done $0x0  }
0x1bf: {  	[sflag:s13] =	ssyncadd.s32 $0xFFFFC000  }
0x1c0: {  	_ =	swait.ge [sflag:s14], $0x80  }
0x1c1: {  	[sflag:s14] =	ssyncset.done $0x0  }
0x1c2: {  	s30 =	sadd.s32 $0xD0, s23;
	[sflag:s14] =	ssyncadd.s32 $0xFFFFFF80  }
0x1c3: {  	[tilespmem:s15], [sflag:$0x4] =	stream.linear.gather [hbm4b:s30+s3], $0x80, $0x38;
	[tilespmem:$0x1C500] =	vst v63  }
0x1c4: {  	_ = 	snop  }
0x1c5: {  	[tilespmem:s16], [sflag:$0x2] =	stream.indirect.gather [hbm4b:s1+s11], $0x80, s19, s11, $0xb8;
	[tilespmem:$0x1C500] =	vst v63  }
0x1c6: {  	_ =	swait.ge [sflag:s17], $0x4000  }
0x1c7: {  	[sflag:s17] =	ssyncset.done $0x0  }
0x1c8: {  	[sflag:s17] =	ssyncadd.s32 $0xFFFFC000  }
0x1c9: {  	_ =	swait.ge [sflag:s18], $0x80  }
0x1ca: {  	[sflag:s18] =	ssyncset.done $0x0  }
0x1cb: {  	s31 =	sadd.s32 $0xE0, s23;
	[sflag:s18] =	ssyncadd.s32 $0xFFFFFF80  }
0x1cc: {  	[tilespmem:s10], [sflag:$0x3] =	stream.linear.gather [hbm4b:s31+s3], $0x80, $0x38;
	[tilespmem:$0x1C500] =	vst v63  }
0x1cd: {  	_ = 	snop  }
0x1ce: {  	[tilespmem:s12], [sflag:$0x1] =	stream.indirect.gather [hbm4b:s1+s11], $0x80, s20, s11, $0xb8;
	[tilespmem:$0x1C500] =	vst v63  }
0x1cf: {  	_ =	swait.ge [sflag:s13], $0x4000  }
0x1d0: {  	[sflag:s13] =	ssyncset.done $0x0  }
0x1d1: {  	[sflag:s13] =	ssyncadd.s32 $0xFFFFC000  }
0x1d2: {  	_ =	swait.ge [sflag:s14], $0x80  }
0x1d3: {  	[sflag:s14] =	ssyncset.done $0x0  }
0x1d4: {  	s23 =	sadd.s32 $0xF0, s23;
	[sflag:s14] =	ssyncadd.s32 $0xFFFFFF80  }
0x1d5: {  	[tilespmem:s15], [sflag:$0x4] =	stream.linear.gather [hbm4b:s23+s3], $0x80, $0x38;
	[tilespmem:$0x1C500] =	vst v63  }
0x1d6: {  	_ = 	snop  }
0x1d7: {  	[tilespmem:s16], [sflag:$0x2] =	stream.indirect.gather [hbm4b:s1+s11], $0x80, s21, s11, $0xb8;
	[tilespmem:$0x1C500] =	vst v63  }
0x1d8: {  	_ =	swait.ge [sflag:s17], $0x4000  }
0x1d9: {  	[sflag:s17] =	ssyncset.done $0x0  }
0x1da: {  	[sflag:s17] =	ssyncadd.s32 $0xFFFFC000  }
0x1db: {  	_ =	swait.ge [sflag:s18], $0x80  }
0x1dc: {  	s22 =	sadd.s32 $0x1, s22;
	[sflag:s18] =	ssyncset.done $0x0  }
0x1dd: {  	p0 =	sne.s32 s22, s7;
	[sflag:s18] =	ssyncadd.s32 $0xFFFFFF80  }
.Ltmp1:
0x1de: {  	[bflag:$0x0] =	sbarrier.arrive $0xFFFF;
	(pc) =	sbr.rel @p0 .LBB2_1-.Ltmp1, $4  }
0x1df: {  	[hbm:s6], [sflag:s5] =	dma.local [spmem:s8], $0x2780  }
0x1e0: {  	_ =	swait.ge [sflag:s9], $0x2780  }
0x1e1: {  	[sflag:s9] =	ssyncset.done $0x0  }
0x1e2: {  	[sflag:s9] =	ssyncadd.s32 $0xFFFFD880  }
0x1e3: {  	_ =	sfence.sel $0x180000  }
0x1e4: {  	[bflag:$0x0] =	sbarrier.arrive $0xFFFF  }
0x1e5: {  	p0 =	sne.s32 s2, $0x0;
	_ =	strace $0x90000047  }
0x1e6: {  	s0 =	sadd.s32 @!p0 $0x100000, s0;
	[bflag:$0x2] =	sbarrier.arrive $0xFFFF  }
0x1e7: {  	[sflag:s0] =	ssyncadd.tile.s32 @!p0 $0x1;
	_ =	shalt  }
.Lfunc_end2:
_tile_overlayer_lowered:
.L_overlay_start_2:
0x1e8: {  	(tag) =	ssettag $0x2  }
0x1e9: {  	s0 =	rddreg [dreg:$0x0];
	s2 =	stileid.u32  }
0x1ea: {  	s1 =	rddreg [dreg:$0x1];
	p0 =	sne.s32 s2, $0x0  }
0x1eb: {  	s3 =	rddreg [dreg:$0x2];
	[bflag:$0x3] =	sbarrier.arrive $0xFFFF;
	s2 =	simm.s32 @!p0 $0x1C05  }
0x1ec: {  	[timem:s3], [sflag:s2] =	dma.local @!p0 [hbm:s0], s1  }
0x1ed: {  	s0 =	simm.s32 @!p0 $0x5  }
0x1ee: {  	_ =	swait.ge @!p0 [sflag:s0], s1  }
0x1ef: {  	s1 =	ssub.s32 @!p0 $0x0, s1;
	[sflag:s0] =	ssyncset.done @!p0 $0x0  }
0x1f0: {  	[sflag:s0] =	ssyncadd.s32 @!p0 s1  }
0x1f1: {  	[bflag:$0x3] =	sbarrier.arrive $0xFFFF  }
0x1f2: {  	_ =	shalt  }

</sc_bundles>
